<compile_context>
chip_gen: v7x
topology: tpu7x:2x2x1
jax: 0.10.2.dev20260603
libtpu: 0.0.44.dev20260713+nightly
codegen_flags: <defaults>
</compile_context>

<pallas_src>
import functools

import jax
import jax.numpy as jnp
from jax import lax
from jax.experimental import pallas as pl
from jax.experimental.pallas import tpu as pltpu
from jax.experimental.pallas import tpu_sc as plsc

N_NODES = 10000
NP = 10240
N_PAD_ROWS = NP - N_NODES
E = 320000
EP = 327680
NW = 32
CH = 128
NCHUNK = 80
EPW = NCHUNK * CH
STRIPE = NP // 16

_mesh = plsc.VectorSubcoreMesh(core_axis_name="c", subcore_axis_name="s")


def _zero_1d(ref, n):
    z = jnp.zeros((16,), jnp.float32)

    def body(i, _):
        ref[pl.ds(i * 16, 16)] = z
        return 0

    lax.fori_loop(0, n // 16, body, 0)


def _zero_2d(ref, rows):
    z = jnp.zeros((16,), jnp.float32)

    def body(i, _):
        for k in range(8):
            ref[i, pl.ds(k * 16, 16)] = z
        return 0

    lax.fori_loop(0, rows, body, 0)


@functools.partial(
    pl.kernel,
    out_type=jax.ShapeDtypeStruct((2, NP // 128, 128), jnp.float32),
    mesh=_mesh,
    scratch_types=[
        pltpu.VMEM((EPW,), jnp.int32),
        pltpu.VMEM((NP // 128, 128), jnp.float32),
        pltpu.VMEM((NP // 128,), jnp.int32),
        pltpu.VMEM_SHARED((NP // 128, 128), jnp.float32),
    ],
    compiler_params=pltpu.CompilerParams(needs_layout_passes=False),
)
def _deg_kernel(ei_hbm, deg_out, dst_v, hist_v, iota_v, deg_s):
    cid = lax.axis_index("c")
    sid = lax.axis_index("s")
    wid = sid * 2 + cid
    NR = NP // 128
    pltpu.sync_copy(ei_hbm.at[1, pl.ds(wid * EPW, EPW)], dst_v)
    _zero_2d(hist_v, NR)
    lane = lax.iota(jnp.int32, 16)
    for k in range(NR // 16):
        iota_v[pl.ds(k * 16, 16)] = lane + k * 16
    @pl.when(sid < NR // 8)
    def _():
        pltpu.sync_copy(hist_v.at[pl.ds(sid * 8, 8)],
                        deg_s.at[pl.ds(sid * 8, 8)])

    one = jnp.ones((16,), jnp.float32)

    def body(j, _):
        di = dst_v[pl.ds(j * 16, 16)]
        plsc.addupdate_scatter(hist_v, [di >> 7, di & 127], one)
        return 0

    lax.fori_loop(0, EPW // 16, body, 0)
    plsc.subcore_barrier()
    pltpu.sync_copy(hist_v, deg_s.at[iota_v], add=True)
    plsc.subcore_barrier()

    @pl.when(sid < NR // 8)
    def _():
        pltpu.sync_copy(deg_s.at[pl.ds(sid * 8, 8)],
                        deg_out.at[cid, pl.ds(sid * 8, 8)])


RB = 1024


def _scale_body(x_ref, degt_ref, g_ref, dinv_ref):
    deg = degt_ref[:, 0:1] + degt_ref[:, 1:2] + 1.0
    dinv = lax.rsqrt(deg)
    g_ref[...] = dinv * x_ref[...]
    dinv_ref[...] = dinv


def _run_scale(x_p, degt):
    return pl.pallas_call(
        _scale_body,
        grid=(NP // RB,),
        in_specs=[
            pl.BlockSpec((RB, 128), lambda i: (i, 0)),
            pl.BlockSpec((RB, 2), lambda i: (i, 0)),
        ],
        out_specs=[
            pl.BlockSpec((RB, 128), lambda i: (i, 0)),
            pl.BlockSpec((RB, 1), lambda i: (i, 0)),
        ],
        out_shape=[
            jax.ShapeDtypeStruct((NP, 128), jnp.float32),
            jax.ShapeDtypeStruct((NP, 1), jnp.float32),
        ],
    )(x_p, degt)


@functools.partial(
    pl.kernel,
    out_type=(
        jax.ShapeDtypeStruct((2, NP, 128), jnp.float32),
        jax.ShapeDtypeStruct((2, NP), jnp.float32),
    ),
    mesh=_mesh,
    scratch_types=[
        pltpu.VMEM((4, 2, CH), jnp.int32),
        pltpu.VMEM((NP,), jnp.float32),
        pltpu.VMEM((CH,), jnp.float32),
        pltpu.VMEM((CH,), jnp.float32),
        pltpu.VMEM((CH, 128), jnp.float32),
        pltpu.VMEM((CH, 128), jnp.float32),
        pltpu.VMEM_SHARED((NP, 128), jnp.float32),
        pltpu.VMEM_SHARED((NP,), jnp.float32),
        pltpu.SemaphoreType.DMA,
        pltpu.SemaphoreType.DMA,
        pltpu.SemaphoreType.DMA,
        pltpu.SemaphoreType.DMA,
        pltpu.SemaphoreType.DMA,
        pltpu.SemaphoreType.DMA,
        pltpu.SemaphoreType.DMA,
        pltpu.SemaphoreType.DMA,
        pltpu.SemaphoreType.DMA,
        pltpu.SemaphoreType.DMA,
    ],
    compiler_params=pltpu.CompilerParams(needs_layout_passes=False),
)
def _agg_kernel(ei_hbm, g_hbm, dinv_hbm,
                acc_out, s_out,
                sd_v, dinv_v, sval0_v, sval1_v, rows0_v, rows1_v,
                acc_s, s_s,
                isem0, isem1, isem2, isem3,
                gsem0, gsem1, ssem0, ssem1, tsem0, tsem1):
    cid = lax.axis_index("c")
    sid = lax.axis_index("s")
    wid = sid * 2 + cid
    isems = (isem0, isem1, isem2, isem3)
    rows = (rows0_v, rows1_v)
    svals = (sval0_v, sval1_v)
    gsems = (gsem0, gsem1)
    ssems = (ssem0, ssem1)
    tsems = (tsem0, tsem1)
    pltpu.sync_copy(dinv_hbm, dinv_v)
    _zero_2d(rows0_v, CH)
    for t in range(STRIPE // CH):
        pltpu.sync_copy(rows0_v, acc_s.at[pl.ds(sid * STRIPE + t * CH, CH)])
    _zero_1d(sval0_v, CH)
    for t in range(STRIPE // CH):
        pltpu.sync_copy(sval0_v, s_s.at[pl.ds(sid * STRIPE + t * CH, CH)])
    plsc.subcore_barrier()

    def idx_fetch(c, slot):
        pltpu.async_copy(ei_hbm.at[:, pl.ds(wid * EPW + c * CH, CH)],
                         sd_v.at[slot], isems[slot])

    def idx_wait(c, slot):
        pltpu.make_async_copy(ei_hbm.at[:, pl.ds(wid * EPW + c * CH, CH)],
                              sd_v.at[slot], isems[slot]).wait()

    def scat_wait(slot, buf):
        pltpu.make_async_copy(rows[buf], acc_s.at[sd_v.at[slot, 1]],
                              ssems[buf]).wait()

    def t_wait(slot, buf):
        pltpu.make_async_copy(svals[buf], s_s.at[sd_v.at[slot, 0]],
                              tsems[buf]).wait()

    def gather_start(c, slot, buf):
        @pl.when(c >= 2)
        def _():
            scat_wait((slot + 2) % 4, buf)

        pltpu.async_copy(g_hbm.at[sd_v.at[slot, 0]], rows[buf], gsems[buf])

    def gather_wait(c, slot, buf):
        pltpu.make_async_copy(g_hbm.at[sd_v.at[slot, 0]], rows[buf],
                              gsems[buf]).wait()

    def s_part(slot, buf):
        for k in range(CH // 16):
            di = sd_v[slot, 1, pl.ds(k * 16, 16)]
            svals[buf][pl.ds(k * 16, 16)] = plsc.load_gather(dinv_v, [di])

    def consume(c, slot, buf):
        @pl.when(c >= 2)
        def _():
            t_wait((slot + 2) % 4, buf)

        @pl.when(c + 2 < NCHUNK)
        def _():
            idx_fetch(c + 2, (slot + 2) % 4)

        s_part(slot, buf)
        gather_wait(c, slot, buf)
        pltpu.async_copy(rows[buf], acc_s.at[sd_v.at[slot, 1]], ssems[buf],
                         add=True)
        pltpu.async_copy(svals[buf], s_s.at[sd_v.at[slot, 0]], tsems[buf],
                         add=True)

    idx_fetch(0, 0)
    idx_fetch(1, 1)
    idx_wait(0, 0)
    gather_start(0, 0, 0)

    def body(t, _):
        c0 = 4 * t
        idx_wait(c0 + 1, 1)
        gather_start(c0 + 1, 1, 1)
        consume(c0, 0, 0)
        idx_wait(c0 + 2, 2)
        gather_start(c0 + 2, 2, 0)
        consume(c0 + 1, 1, 1)
        idx_wait(c0 + 3, 3)
        gather_start(c0 + 3, 3, 1)
        consume(c0 + 2, 2, 0)

        @pl.when(t < NCHUNK // 4 - 1)
        def _():
            idx_wait(c0 + 4, 0)
            gather_start(c0 + 4, 0, 0)

        consume(c0 + 3, 3, 1)
        return 0

    lax.fori_loop(0, NCHUNK // 4, body, 0)
    scat_wait((NCHUNK - 2) % 4, 0)
    scat_wait((NCHUNK - 1) % 4, 1)
    t_wait((NCHUNK - 2) % 4, 0)
    t_wait((NCHUNK - 1) % 4, 1)
    plsc.subcore_barrier()
    pltpu.sync_copy(acc_s.at[pl.ds(sid * STRIPE, STRIPE)],
                    acc_out.at[cid, pl.ds(sid * STRIPE, STRIPE)])
    pltpu.sync_copy(s_s.at[pl.ds(sid * STRIPE, STRIPE)],
                    s_out.at[cid, pl.ds(sid * STRIPE, STRIPE)])


def _final_body(accp_ref, g_ref, st_ref, dinv_ref, w1_ref, b1_ref, w2_ref,
                b2_ref, out_ref, vacc_ref):
    i = pl.program_id(0)
    dinv = dinv_ref[...]
    s = st_ref[:, 0:1] + st_ref[:, 1:2]
    c = dinv * s + dinv * dinv
    ids = i * RB + lax.broadcasted_iota(jnp.int32, (RB, 1), 0)
    c = jnp.where(ids < N_NODES, c, 0.0)
    agg = dinv * (accp_ref[0] + accp_ref[1] + g_ref[...])
    h = jax.lax.dot_general(
        agg, w1_ref[...], (((1,), (0,)), ((), ())),
        preferred_element_type=jnp.float32,
        precision=lax.Precision.HIGHEST,
    )
    r = jnp.maximum(h + b1_ref[...], 0.0)
    part = jnp.sum(c * r, axis=0, keepdims=True)

    @pl.when(i == 0)
    def _():
        vacc_ref[...] = part

    @pl.when(i > 0)
    def _():
        vacc_ref[...] += part

    @pl.when(i == NP // RB - 1)
    def _():
        v = vacc_ref[...]
        out_ref[...] = (
            jax.lax.dot_general(
                v, w2_ref[...], (((1,), (0,)), ((), ())),
                preferred_element_type=jnp.float32,
                precision=lax.Precision.HIGHEST,
            ) / float(N_NODES) + b2_ref[...]
        )


def _run_final(accp, g, st, dinv, W1, b1, W2, b2):
    return pl.pallas_call(
        _final_body,
        grid=(NP // RB,),
        in_specs=[
            pl.BlockSpec((2, RB, 128), lambda i: (0, i, 0)),
            pl.BlockSpec((RB, 128), lambda i: (i, 0)),
            pl.BlockSpec((RB, 2), lambda i: (i, 0)),
            pl.BlockSpec((RB, 1), lambda i: (i, 0)),
            pl.BlockSpec((128, 128), lambda i: (0, 0)),
            pl.BlockSpec((1, 128), lambda i: (0, 0)),
            pl.BlockSpec((128, 128), lambda i: (0, 0)),
            pl.BlockSpec((1, 128), lambda i: (0, 0)),
        ],
        out_specs=pl.BlockSpec((1, 128), lambda i: (0, 0)),
        out_shape=jax.ShapeDtypeStruct((1, 128), jnp.float32),
        scratch_shapes=[pltpu.VMEM((1, 128), jnp.float32)],
    )(accp, g, st, dinv, W1, b1, W2, b2)


def kernel(x, edge_index, W1, b1, W2, b2):
    ei = edge_index.astype(jnp.int32)
    pad = N_NODES + (jnp.arange(EP - E, dtype=jnp.int32) % N_PAD_ROWS)
    ei2 = jnp.concatenate(
        [ei, jnp.broadcast_to(pad[None, :], (2, EP - E))], axis=1)
    x_p = jnp.concatenate([x, jnp.zeros((NP - N_NODES, 128), x.dtype)])

    degp = _deg_kernel(ei2)
    degt = degp.reshape(2, NP).T.reshape(NP, 2)
    g, dinv = _run_scale(x_p, degt)
    accp, sp = _agg_kernel(ei2, g, dinv.reshape(NP))
    st = sp.T.reshape(NP, 2)
    out = _run_final(accp, g, st, dinv, W1, b1.reshape(1, 128), W2,
                     b2.reshape(1, 128))
    return out.reshape(128)

# --- scband reference (transcript-rebuilt; emitter-appended) ---
"""Pipeline reference for scband-ugcn-28355374088793 (READ-ONLY COPY).

The authoritative reference and input builder live on the scoring server;
editing this copy changes nothing except your own understanding.
"""

import jax, jax.numpy as jnp
import numpy as np

N_NODES = 10000


def gcn_conv(x, edge_index, W, b, num_nodes):
    # x' = D^{-1/2} (A + I) D^{-1/2} (X W) + b  (PyG GCNConv with self-loops)
    src = edge_index[0]
    dst = edge_index[1]
    loop = jnp.arange(num_nodes, dtype=edge_index.dtype)
    src = jnp.concatenate([src, loop])
    dst = jnp.concatenate([dst, loop])
    deg = jnp.zeros((num_nodes,), dtype=x.dtype).at[dst].add(1.0)
    dinv = jnp.where(deg > 0, deg ** -0.5, 0.0)
    norm = dinv[src] * dinv[dst]
    h = x @ W
    msg = norm[:, None] * h[src]
    out = jax.ops.segment_sum(msg, dst, num_segments=num_nodes)
    return out + b


def setup_inputs(seed: int = 0) -> dict:
    key = jax.random.key(seed)
    k1, k2, k3, k4, k5, k6 = jax.random.split(key, 6)
    x = jax.random.normal(k1, (N_NODES, 128), dtype=jnp.float32)
    edge_index = jax.random.randint(k2, (2, 320000), 0, N_NODES, dtype=jnp.int64)
    W1 = jax.random.normal(k3, (128, 128), dtype=jnp.float32) * 0.05
    b1 = jnp.zeros((128,), dtype=jnp.float32)
    W2 = jax.random.normal(k4, (128, 128), dtype=jnp.float32) * 0.05
    b2 = jnp.zeros((128,), dtype=jnp.float32)
    return {"x": x, "edge_index": edge_index, "W1": W1, "b1": b1, "W2": W2, "b2": b2}


def reference(x, edge_index, W1, b1, W2, b2):
    h = gcn_conv(x, edge_index, W1, b1, N_NODES)
    h = jax.nn.relu(h)
    h = gcn_conv(h, edge_index, W2, b2, N_NODES)
    return h.mean(axis=0)

if __name__ == "__main__":
    import jax
    _d = setup_inputs()
    print(jax.jit(kernel)(*tuple(_d.values())))

</pallas_src>

<mosaic_0001>
#map = affine_map<(d0, d1) -> (0, 0)>
#map1 = affine_map<(d0, d1) -> (0)>
#map2 = affine_map<(d0, d1) -> (0, 0, 0)>
module attributes {stable_mosaic.version = 14 : i64} {
  func.func @_agg_kernel(%arg0: i32, %arg1: i32, %arg2: memref<2x327680xi32, #tpu.memory_space<hbm>>, %arg3: memref<10240x128xf32, #tpu.memory_space<hbm>>, %arg4: memref<10240xf32, #tpu.memory_space<hbm>>, %arg5: memref<2x10240x128xf32, #tpu.memory_space<hbm>>, %arg6: memref<2x10240xf32, #tpu.memory_space<hbm>>, %arg7: memref<4x2x128xi32, #tpu.memory_space<vmem>>, %arg8: memref<10240xf32, #tpu.memory_space<vmem>>, %arg9: memref<128xf32, #tpu.memory_space<vmem>>, %arg10: memref<128xf32, #tpu.memory_space<vmem>>, %arg11: memref<128x128xf32, #tpu.memory_space<vmem>>, %arg12: memref<128x128xf32, #tpu.memory_space<vmem>>, %arg13: memref<10240x128xf32, #tpu.memory_space<vmem_shared>>, %arg14: memref<10240xf32, #tpu.memory_space<vmem_shared>>, %arg15: memref<!tpu.dma_semaphore, #tpu.memory_space<semaphore_mem>>, %arg16: memref<!tpu.dma_semaphore, #tpu.memory_space<semaphore_mem>>, %arg17: memref<!tpu.dma_semaphore, #tpu.memory_space<semaphore_mem>>, %arg18: memref<!tpu.dma_semaphore, #tpu.memory_space<semaphore_mem>>, %arg19: memref<!tpu.dma_semaphore, #tpu.memory_space<semaphore_mem>>, %arg20: memref<!tpu.dma_semaphore, #tpu.memory_space<semaphore_mem>>, %arg21: memref<!tpu.dma_semaphore, #tpu.memory_space<semaphore_mem>>, %arg22: memref<!tpu.dma_semaphore, #tpu.memory_space<semaphore_mem>>, %arg23: memref<!tpu.dma_semaphore, #tpu.memory_space<semaphore_mem>>, %arg24: memref<!tpu.dma_semaphore, #tpu.memory_space<semaphore_mem>>) attributes {dimension_semantics = [#tpu.dimension_semantics<core_parallel>, #tpu.dimension_semantics<subcore_parallel>], iteration_bounds = array<i64: 2, 16>, scalar_prefetch = 0 : i64, scratch_operands = 18 : i64, tpu.core_type = #tpu.core_type<sc_vector_subcore>, window_params = [{transform_indices = #map}, {transform_indices = #map}, {transform_indices = #map1}, {transform_indices = #map2}, {transform_indices = #map}]} {
    %mul3A = arith.constant 2 : i32
    %mul3A_0 = arith.muli %arg1, %mul3A : i32
    %add3A = arith.addi %mul3A_0, %arg0 : i32
    "tpu.region"() ({
      %run_scoped3A = tpu.sem_alloc : memref<!tpu.dma_semaphore, #tpu.memory_space<semaphore_mem>>
      tpu.enqueue_dma source(%arg4 : memref<10240xf32, #tpu.memory_space<hbm>>) target(%arg8 : memref<10240xf32, #tpu.memory_space<vmem>>) target_semaphore(%run_scoped3A : memref<!tpu.dma_semaphore, #tpu.memory_space<semaphore_mem>>)
      tpu.wait_dma2 semaphore(%run_scoped3A : memref<!tpu.dma_semaphore, #tpu.memory_space<semaphore_mem>>) src(%arg4 : memref<10240xf32, #tpu.memory_space<hbm>>) dst(%arg8 : memref<10240xf32, #tpu.memory_space<vmem>>)
      tpu.yield
    }) : () -> ()
    %broadcast_in_dim3A = arith.constant 0.000000e+00 : f32
    %broadcast_in_dim3A_1 = vector.broadcast %broadcast_in_dim3A : f32 to vector<16xf32>
    %scan3A = arith.constant 0 : i32
    %scan3A_2 = arith.constant 0 : i32
    %scan3A_3 = arith.constant 128 : i32
    %scan3A_4 = arith.addi %scan3A_2, %scan3A_3 : i32
    %scan3A_5 = arith.constant 1 : i32
    %scan3A_6 = scf.for %scan3A_160 = %scan3A_2 to %scan3A_4 step %scan3A_5 iter_args(%scan3A_161 = %scan3A) -> (i32)  : i32 {
      %swap3A = arith.index_cast %scan3A_160 : i32 to index
      %swap3A_162 = arith.constant 0 : index
      %swap3A_163 = tpu.vector_load %arg11[%swap3A, %swap3A_162] {strides = array<i32>} : memref<128x128xf32, #tpu.memory_space<vmem>>, vector<16xf32>,
      tpu.vector_store %arg11[%swap3A, %swap3A_162], %broadcast_in_dim3A_1 {strides = array<i32>} : memref<128x128xf32, #tpu.memory_space<vmem>>, vector<16xf32>,
      %swap3A_164 = arith.index_cast %scan3A_160 : i32 to index
      %swap3A_165 = arith.constant 16 : index
      %swap3A_166 = tpu.vector_load %arg11[%swap3A_164, %swap3A_165] {strides = array<i32>} : memref<128x128xf32, #tpu.memory_space<vmem>>, vector<16xf32>,
      tpu.vector_store %arg11[%swap3A_164, %swap3A_165], %broadcast_in_dim3A_1 {strides = array<i32>} : memref<128x128xf32, #tpu.memory_space<vmem>>, vector<16xf32>,
      %swap3A_167 = arith.index_cast %scan3A_160 : i32 to index
      %swap3A_168 = arith.constant 32 : index
      %swap3A_169 = tpu.vector_load %arg11[%swap3A_167, %swap3A_168] {strides = array<i32>} : memref<128x128xf32, #tpu.memory_space<vmem>>, vector<16xf32>,
      tpu.vector_store %arg11[%swap3A_167, %swap3A_168], %broadcast_in_dim3A_1 {strides = array<i32>} : memref<128x128xf32, #tpu.memory_space<vmem>>, vector<16xf32>,
      %swap3A_170 = arith.index_cast %scan3A_160 : i32 to index
      %swap3A_171 = arith.constant 48 : index
      %swap3A_172 = tpu.vector_load %arg11[%swap3A_170, %swap3A_171] {strides = array<i32>} : memref<128x128xf32, #tpu.memory_space<vmem>>, vector<16xf32>,
      tpu.vector_store %arg11[%swap3A_170, %swap3A_171], %broadcast_in_dim3A_1 {strides = array<i32>} : memref<128x128xf32, #tpu.memory_space<vmem>>, vector<16xf32>,
      %swap3A_173 = arith.index_cast %scan3A_160 : i32 to index
      %swap3A_174 = arith.constant 64 : index
      %swap3A_175 = tpu.vector_load %arg11[%swap3A_173, %swap3A_174] {strides = array<i32>} : memref<128x128xf32, #tpu.memory_space<vmem>>, vector<16xf32>,
      tpu.vector_store %arg11[%swap3A_173, %swap3A_174], %broadcast_in_dim3A_1 {strides = array<i32>} : memref<128x128xf32, #tpu.memory_space<vmem>>, vector<16xf32>,
      %swap3A_176 = arith.index_cast %scan3A_160 : i32 to index
      %swap3A_177 = arith.constant 80 : index
      %swap3A_178 = tpu.vector_load %arg11[%swap3A_176, %swap3A_177] {strides = array<i32>} : memref<128x128xf32, #tpu.memory_space<vmem>>, vector<16xf32>,
      tpu.vector_store %arg11[%swap3A_176, %swap3A_177], %broadcast_in_dim3A_1 {strides = array<i32>} : memref<128x128xf32, #tpu.memory_space<vmem>>, vector<16xf32>,
      %swap3A_179 = arith.index_cast %scan3A_160 : i32 to index
      %swap3A_180 = arith.constant 96 : index
      %swap3A_181 = tpu.vector_load %arg11[%swap3A_179, %swap3A_180] {strides = array<i32>} : memref<128x128xf32, #tpu.memory_space<vmem>>, vector<16xf32>,
      tpu.vector_store %arg11[%swap3A_179, %swap3A_180], %broadcast_in_dim3A_1 {strides = array<i32>} : memref<128x128xf32, #tpu.memory_space<vmem>>, vector<16xf32>,
      %swap3A_182 = arith.index_cast %scan3A_160 : i32 to index
      %swap3A_183 = arith.constant 112 : index
      %swap3A_184 = tpu.vector_load %arg11[%swap3A_182, %swap3A_183] {strides = array<i32>} : memref<128x128xf32, #tpu.memory_space<vmem>>, vector<16xf32>,
      tpu.vector_store %arg11[%swap3A_182, %swap3A_183], %broadcast_in_dim3A_1 {strides = array<i32>} : memref<128x128xf32, #tpu.memory_space<vmem>>, vector<16xf32>,
      %scan3A_185 = arith.constant 0 : i32
      scf.yield %scan3A_185 : i32
    }
    %scan3A_7 = arith.constant 128 : i32
    %mul3A_8 = arith.constant 640 : i32
    %mul3A_9 = arith.muli %arg1, %mul3A_8 : i32
    %add3A_10 = arith.constant 0 : i32
    %add3A_11 = arith.addi %mul3A_9, %add3A_10 : i32
    "tpu.region"() ({
      %run_scoped3A = tpu.sem_alloc : memref<!tpu.dma_semaphore, #tpu.memory_space<semaphore_mem>>
      %dma_start3A_160 = arith.constant 0 : i32
      %dma_start3A_161 = tpu.memref_slice %arg13[%add3A_11, %dma_start3A_160] : memref<10240x128xf32, #tpu.memory_space<vmem_shared>> -> memref<128x128xf32, #tpu.memory_space<vmem_shared>>
      %dma_start3A_162 = arith.constant 0 : i32
      %dma_start3A_163 = tpu.memref_slice %arg13[%add3A_11, %dma_start3A_162] : memref<10240x128xf32, #tpu.memory_space<vmem_shared>> -> memref<128x128xf32, #tpu.memory_space<vmem_shared>>
      tpu.enqueue_dma source(%arg11 : memref<128x128xf32, #tpu.memory_space<vmem>>) target(%dma_start3A_163 : memref<128x128xf32, #tpu.memory_space<vmem_shared>>) target_semaphore(%run_scoped3A : memref<!tpu.dma_semaphore, #tpu.memory_space<semaphore_mem>>)
      %dma_wait3A_164 = arith.constant 0 : i32
      %dma_wait3A_165 = tpu.memref_slice %arg13[%add3A_11, %dma_wait3A_164] : memref<10240x128xf32, #tpu.memory_space<vmem_shared>> -> memref<128x128xf32, #tpu.memory_space<vmem_shared>>
      %dma_wait3A_166 = arith.constant 0 : i32
      %dma_wait3A_167 = tpu.memref_slice %arg13[%add3A_11, %dma_wait3A_166] : memref<10240x128xf32, #tpu.memory_space<vmem_shared>> -> memref<128x128xf32, #tpu.memory_space<vmem_shared>>
      tpu.wait_dma2 semaphore(%run_scoped3A : memref<!tpu.dma_semaphore, #tpu.memory_space<semaphore_mem>>) src(%arg11 : memref<128x128xf32, #tpu.memory_space<vmem>>) dst(%dma_wait3A_167 : memref<128x128xf32, #tpu.memory_space<vmem_shared>>)
      tpu.yield
    }) : () -> ()
    %mul3A_12 = arith.constant 640 : i32
    %mul3A_13 = arith.muli %arg1, %mul3A_12 : i32
    %add3A_14 = arith.constant 128 : i32
    %add3A_15 = arith.addi %mul3A_13, %add3A_14 : i32
    "tpu.region"() ({
      %run_scoped3A = tpu.sem_alloc : memref<!tpu.dma_semaphore, #tpu.memory_space<semaphore_mem>>
      %dma_start3A_160 = arith.constant 0 : i32
      %dma_start3A_161 = tpu.memref_slice %arg13[%add3A_15, %dma_start3A_160] : memref<10240x128xf32, #tpu.memory_space<vmem_shared>> -> memref<128x128xf32, #tpu.memory_space<vmem_shared>>
      %dma_start3A_162 = arith.constant 0 : i32
      %dma_start3A_163 = tpu.memref_slice %arg13[%add3A_15, %dma_start3A_162] : memref<10240x128xf32, #tpu.memory_space<vmem_shared>> -> memref<128x128xf32, #tpu.memory_space<vmem_shared>>
      tpu.enqueue_dma source(%arg11 : memref<128x128xf32, #tpu.memory_space<vmem>>) target(%dma_start3A_163 : memref<128x128xf32, #tpu.memory_space<vmem_shared>>) target_semaphore(%run_scoped3A : memref<!tpu.dma_semaphore, #tpu.memory_space<semaphore_mem>>)
      %dma_wait3A_164 = arith.constant 0 : i32
      %dma_wait3A_165 = tpu.memref_slice %arg13[%add3A_15, %dma_wait3A_164] : memref<10240x128xf32, #tpu.memory_space<vmem_shared>> -> memref<128x128xf32, #tpu.memory_space<vmem_shared>>
      %dma_wait3A_166 = arith.constant 0 : i32
      %dma_wait3A_167 = tpu.memref_slice %arg13[%add3A_15, %dma_wait3A_166] : memref<10240x128xf32, #tpu.memory_space<vmem_shared>> -> memref<128x128xf32, #tpu.memory_space<vmem_shared>>
      tpu.wait_dma2 semaphore(%run_scoped3A : memref<!tpu.dma_semaphore, #tpu.memory_space<semaphore_mem>>) src(%arg11 : memref<128x128xf32, #tpu.memory_space<vmem>>) dst(%dma_wait3A_167 : memref<128x128xf32, #tpu.memory_space<vmem_shared>>)
      tpu.yield
    }) : () -> ()
    %mul3A_16 = arith.constant 640 : i32
    %mul3A_17 = arith.muli %arg1, %mul3A_16 : i32
    %add3A_18 = arith.constant 256 : i32
    %add3A_19 = arith.addi %mul3A_17, %add3A_18 : i32
    "tpu.region"() ({
      %run_scoped3A = tpu.sem_alloc : memref<!tpu.dma_semaphore, #tpu.memory_space<semaphore_mem>>
      %dma_start3A_160 = arith.constant 0 : i32
      %dma_start3A_161 = tpu.memref_slice %arg13[%add3A_19, %dma_start3A_160] : memref<10240x128xf32, #tpu.memory_space<vmem_shared>> -> memref<128x128xf32, #tpu.memory_space<vmem_shared>>
      %dma_start3A_162 = arith.constant 0 : i32
      %dma_start3A_163 = tpu.memref_slice %arg13[%add3A_19, %dma_start3A_162] : memref<10240x128xf32, #tpu.memory_space<vmem_shared>> -> memref<128x128xf32, #tpu.memory_space<vmem_shared>>
      tpu.enqueue_dma source(%arg11 : memref<128x128xf32, #tpu.memory_space<vmem>>) target(%dma_start3A_163 : memref<128x128xf32, #tpu.memory_space<vmem_shared>>) target_semaphore(%run_scoped3A : memref<!tpu.dma_semaphore, #tpu.memory_space<semaphore_mem>>)
      %dma_wait3A_164 = arith.constant 0 : i32
      %dma_wait3A_165 = tpu.memref_slice %arg13[%add3A_19, %dma_wait3A_164] : memref<10240x128xf32, #tpu.memory_space<vmem_shared>> -> memref<128x128xf32, #tpu.memory_space<vmem_shared>>
      %dma_wait3A_166 = arith.constant 0 : i32
      %dma_wait3A_167 = tpu.memref_slice %arg13[%add3A_19, %dma_wait3A_166] : memref<10240x128xf32, #tpu.memory_space<vmem_shared>> -> memref<128x128xf32, #tpu.memory_space<vmem_shared>>
      tpu.wait_dma2 semaphore(%run_scoped3A : memref<!tpu.dma_semaphore, #tpu.memory_space<semaphore_mem>>) src(%arg11 : memref<128x128xf32, #tpu.memory_space<vmem>>) dst(%dma_wait3A_167 : memref<128x128xf32, #tpu.memory_space<vmem_shared>>)
      tpu.yield
    }) : () -> ()
    %mul3A_20 = arith.constant 640 : i32
    %mul3A_21 = arith.muli %arg1, %mul3A_20 : i32
    %add3A_22 = arith.constant 384 : i32
    %add3A_23 = arith.addi %mul3A_21, %add3A_22 : i32
    "tpu.region"() ({
      %run_scoped3A = tpu.sem_alloc : memref<!tpu.dma_semaphore, #tpu.memory_space<semaphore_mem>>
      %dma_start3A_160 = arith.constant 0 : i32
      %dma_start3A_161 = tpu.memref_slice %arg13[%add3A_23, %dma_start3A_160] : memref<10240x128xf32, #tpu.memory_space<vmem_shared>> -> memref<128x128xf32, #tpu.memory_space<vmem_shared>>
      %dma_start3A_162 = arith.constant 0 : i32
      %dma_start3A_163 = tpu.memref_slice %arg13[%add3A_23, %dma_start3A_162] : memref<10240x128xf32, #tpu.memory_space<vmem_shared>> -> memref<128x128xf32, #tpu.memory_space<vmem_shared>>
      tpu.enqueue_dma source(%arg11 : memref<128x128xf32, #tpu.memory_space<vmem>>) target(%dma_start3A_163 : memref<128x128xf32, #tpu.memory_space<vmem_shared>>) target_semaphore(%run_scoped3A : memref<!tpu.dma_semaphore, #tpu.memory_space<semaphore_mem>>)
      %dma_wait3A_164 = arith.constant 0 : i32
      %dma_wait3A_165 = tpu.memref_slice %arg13[%add3A_23, %dma_wait3A_164] : memref<10240x128xf32, #tpu.memory_space<vmem_shared>> -> memref<128x128xf32, #tpu.memory_space<vmem_shared>>
      %dma_wait3A_166 = arith.constant 0 : i32
      %dma_wait3A_167 = tpu.memref_slice %arg13[%add3A_23, %dma_wait3A_166] : memref<10240x128xf32, #tpu.memory_space<vmem_shared>> -> memref<128x128xf32, #tpu.memory_space<vmem_shared>>
      tpu.wait_dma2 semaphore(%run_scoped3A : memref<!tpu.dma_semaphore, #tpu.memory_space<semaphore_mem>>) src(%arg11 : memref<128x128xf32, #tpu.memory_space<vmem>>) dst(%dma_wait3A_167 : memref<128x128xf32, #tpu.memory_space<vmem_shared>>)
      tpu.yield
    }) : () -> ()
    %mul3A_24 = arith.constant 640 : i32
    %mul3A_25 = arith.muli %arg1, %mul3A_24 : i32
    %add3A_26 = arith.constant 512 : i32
    %add3A_27 = arith.addi %mul3A_25, %add3A_26 : i32
    "tpu.region"() ({
      %run_scoped3A = tpu.sem_alloc : memref<!tpu.dma_semaphore, #tpu.memory_space<semaphore_mem>>
      %dma_start3A_160 = arith.constant 0 : i32
      %dma_start3A_161 = tpu.memref_slice %arg13[%add3A_27, %dma_start3A_160] : memref<10240x128xf32, #tpu.memory_space<vmem_shared>> -> memref<128x128xf32, #tpu.memory_space<vmem_shared>>
      %dma_start3A_162 = arith.constant 0 : i32
      %dma_start3A_163 = tpu.memref_slice %arg13[%add3A_27, %dma_start3A_162] : memref<10240x128xf32, #tpu.memory_space<vmem_shared>> -> memref<128x128xf32, #tpu.memory_space<vmem_shared>>
      tpu.enqueue_dma source(%arg11 : memref<128x128xf32, #tpu.memory_space<vmem>>) target(%dma_start3A_163 : memref<128x128xf32, #tpu.memory_space<vmem_shared>>) target_semaphore(%run_scoped3A : memref<!tpu.dma_semaphore, #tpu.memory_space<semaphore_mem>>)
      %dma_wait3A_164 = arith.constant 0 : i32
      %dma_wait3A_165 = tpu.memref_slice %arg13[%add3A_27, %dma_wait3A_164] : memref<10240x128xf32, #tpu.memory_space<vmem_shared>> -> memref<128x128xf32, #tpu.memory_space<vmem_shared>>
      %dma_wait3A_166 = arith.constant 0 : i32
      %dma_wait3A_167 = tpu.memref_slice %arg13[%add3A_27, %dma_wait3A_166] : memref<10240x128xf32, #tpu.memory_space<vmem_shared>> -> memref<128x128xf32, #tpu.memory_space<vmem_shared>>
      tpu.wait_dma2 semaphore(%run_scoped3A : memref<!tpu.dma_semaphore, #tpu.memory_space<semaphore_mem>>) src(%arg11 : memref<128x128xf32, #tpu.memory_space<vmem>>) dst(%dma_wait3A_167 : memref<128x128xf32, #tpu.memory_space<vmem_shared>>)
      tpu.yield
    }) : () -> ()
    %broadcast_in_dim3A_28 = arith.constant 0.000000e+00 : f32
    %broadcast_in_dim3A_29 = vector.broadcast %broadcast_in_dim3A_28 : f32 to vector<16xf32>
    %scan3A_30 = arith.constant 0 : i32
    %scan3A_31 = arith.constant 0 : i32
    %scan3A_32 = arith.constant 8 : i32
    %scan3A_33 = arith.addi %scan3A_31, %scan3A_32 : i32
    %scan3A_34 = arith.constant 1 : i32
    %scan3A_35 = scf.for %scan3A_160 = %scan3A_31 to %scan3A_33 step %scan3A_34 iter_args(%scan3A_161 = %scan3A_30) -> (i32)  : i32 {
      %mul3A_162 = arith.constant 16 : i32
      %mul3A_163 = arith.muli %scan3A_160, %mul3A_162 : i32
      %swap3A = arith.index_cast %mul3A_163 : i32 to index
      %swap3A_164 = tpu.vector_load %arg9[%swap3A] {strides = array<i32>} : memref<128xf32, #tpu.memory_space<vmem>>, vector<16xf32>,
      tpu.vector_store %arg9[%swap3A], %broadcast_in_dim3A_29 {strides = array<i32>} : memref<128xf32, #tpu.memory_space<vmem>>, vector<16xf32>,
      %scan3A_165 = arith.constant 0 : i32
      scf.yield %scan3A_165 : i32
    }
    %scan3A_36 = arith.constant 8 : i32
    %mul3A_37 = arith.constant 640 : i32
    %mul3A_38 = arith.muli %arg1, %mul3A_37 : i32
    %add3A_39 = arith.constant 0 : i32
    %add3A_40 = arith.addi %mul3A_38, %add3A_39 : i32
    "tpu.region"() ({
      %run_scoped3A = tpu.sem_alloc : memref<!tpu.dma_semaphore, #tpu.memory_space<semaphore_mem>>
      %dma_start3A_160 = tpu.memref_slice %arg14[%add3A_40] : memref<10240xf32, #tpu.memory_space<vmem_shared>> -> memref<128xf32, #tpu.memory_space<vmem_shared>>
      %dma_start3A_161 = tpu.memref_slice %arg14[%add3A_40] : memref<10240xf32, #tpu.memory_space<vmem_shared>> -> memref<128xf32, #tpu.memory_space<vmem_shared>>
      tpu.enqueue_dma source(%arg9 : memref<128xf32, #tpu.memory_space<vmem>>) target(%dma_start3A_161 : memref<128xf32, #tpu.memory_space<vmem_shared>>) target_semaphore(%run_scoped3A : memref<!tpu.dma_semaphore, #tpu.memory_space<semaphore_mem>>)
      %dma_wait3A_162 = tpu.memref_slice %arg14[%add3A_40] : memref<10240xf32, #tpu.memory_space<vmem_shared>> -> memref<128xf32, #tpu.memory_space<vmem_shared>>
      %dma_wait3A_163 = tpu.memref_slice %arg14[%add3A_40] : memref<10240xf32, #tpu.memory_space<vmem_shared>> -> memref<128xf32, #tpu.memory_space<vmem_shared>>
      tpu.wait_dma2 semaphore(%run_scoped3A : memref<!tpu.dma_semaphore, #tpu.memory_space<semaphore_mem>>) src(%arg9 : memref<128xf32, #tpu.memory_space<vmem>>) dst(%dma_wait3A_163 : memref<128xf32, #tpu.memory_space<vmem_shared>>)
      tpu.yield
    }) : () -> ()
    %mul3A_41 = arith.constant 640 : i32
    %mul3A_42 = arith.muli %arg1, %mul3A_41 : i32
    %add3A_43 = arith.constant 128 : i32
    %add3A_44 = arith.addi %mul3A_42, %add3A_43 : i32
    "tpu.region"() ({
      %run_scoped3A = tpu.sem_alloc : memref<!tpu.dma_semaphore, #tpu.memory_space<semaphore_mem>>
      %dma_start3A_160 = tpu.memref_slice %arg14[%add3A_44] : memref<10240xf32, #tpu.memory_space<vmem_shared>> -> memref<128xf32, #tpu.memory_space<vmem_shared>>
      %dma_start3A_161 = tpu.memref_slice %arg14[%add3A_44] : memref<10240xf32, #tpu.memory_space<vmem_shared>> -> memref<128xf32, #tpu.memory_space<vmem_shared>>
      tpu.enqueue_dma source(%arg9 : memref<128xf32, #tpu.memory_space<vmem>>) target(%dma_start3A_161 : memref<128xf32, #tpu.memory_space<vmem_shared>>) target_semaphore(%run_scoped3A : memref<!tpu.dma_semaphore, #tpu.memory_space<semaphore_mem>>)
      %dma_wait3A_162 = tpu.memref_slice %arg14[%add3A_44] : memref<10240xf32, #tpu.memory_space<vmem_shared>> -> memref<128xf32, #tpu.memory_space<vmem_shared>>
      %dma_wait3A_163 = tpu.memref_slice %arg14[%add3A_44] : memref<10240xf32, #tpu.memory_space<vmem_shared>> -> memref<128xf32, #tpu.memory_space<vmem_shared>>
      tpu.wait_dma2 semaphore(%run_scoped3A : memref<!tpu.dma_semaphore, #tpu.memory_space<semaphore_mem>>) src(%arg9 : memref<128xf32, #tpu.memory_space<vmem>>) dst(%dma_wait3A_163 : memref<128xf32, #tpu.memory_space<vmem_shared>>)
      tpu.yield
    }) : () -> ()
    %mul3A_45 = arith.constant 640 : i32
    %mul3A_46 = arith.muli %arg1, %mul3A_45 : i32
    %add3A_47 = arith.constant 256 : i32
    %add3A_48 = arith.addi %mul3A_46, %add3A_47 : i32
    "tpu.region"() ({
      %run_scoped3A = tpu.sem_alloc : memref<!tpu.dma_semaphore, #tpu.memory_space<semaphore_mem>>
      %dma_start3A_160 = tpu.memref_slice %arg14[%add3A_48] : memref<10240xf32, #tpu.memory_space<vmem_shared>> -> memref<128xf32, #tpu.memory_space<vmem_shared>>
      %dma_start3A_161 = tpu.memref_slice %arg14[%add3A_48] : memref<10240xf32, #tpu.memory_space<vmem_shared>> -> memref<128xf32, #tpu.memory_space<vmem_shared>>
      tpu.enqueue_dma source(%arg9 : memref<128xf32, #tpu.memory_space<vmem>>) target(%dma_start3A_161 : memref<128xf32, #tpu.memory_space<vmem_shared>>) target_semaphore(%run_scoped3A : memref<!tpu.dma_semaphore, #tpu.memory_space<semaphore_mem>>)
      %dma_wait3A_162 = tpu.memref_slice %arg14[%add3A_48] : memref<10240xf32, #tpu.memory_space<vmem_shared>> -> memref<128xf32, #tpu.memory_space<vmem_shared>>
      %dma_wait3A_163 = tpu.memref_slice %arg14[%add3A_48] : memref<10240xf32, #tpu.memory_space<vmem_shared>> -> memref<128xf32, #tpu.memory_space<vmem_shared>>
      tpu.wait_dma2 semaphore(%run_scoped3A : memref<!tpu.dma_semaphore, #tpu.memory_space<semaphore_mem>>) src(%arg9 : memref<128xf32, #tpu.memory_space<vmem>>) dst(%dma_wait3A_163 : memref<128xf32, #tpu.memory_space<vmem_shared>>)
      tpu.yield
    }) : () -> ()
    %mul3A_49 = arith.constant 640 : i32
    %mul3A_50 = arith.muli %arg1, %mul3A_49 : i32
    %add3A_51 = arith.constant 384 : i32
    %add3A_52 = arith.addi %mul3A_50, %add3A_51 : i32
    "tpu.region"() ({
      %run_scoped3A = tpu.sem_alloc : memref<!tpu.dma_semaphore, #tpu.memory_space<semaphore_mem>>
      %dma_start3A_160 = tpu.memref_slice %arg14[%add3A_52] : memref<10240xf32, #tpu.memory_space<vmem_shared>> -> memref<128xf32, #tpu.memory_space<vmem_shared>>
      %dma_start3A_161 = tpu.memref_slice %arg14[%add3A_52] : memref<10240xf32, #tpu.memory_space<vmem_shared>> -> memref<128xf32, #tpu.memory_space<vmem_shared>>
      tpu.enqueue_dma source(%arg9 : memref<128xf32, #tpu.memory_space<vmem>>) target(%dma_start3A_161 : memref<128xf32, #tpu.memory_space<vmem_shared>>) target_semaphore(%run_scoped3A : memref<!tpu.dma_semaphore, #tpu.memory_space<semaphore_mem>>)
      %dma_wait3A_162 = tpu.memref_slice %arg14[%add3A_52] : memref<10240xf32, #tpu.memory_space<vmem_shared>> -> memref<128xf32, #tpu.memory_space<vmem_shared>>
      %dma_wait3A_163 = tpu.memref_slice %arg14[%add3A_52] : memref<10240xf32, #tpu.memory_space<vmem_shared>> -> memref<128xf32, #tpu.memory_space<vmem_shared>>
      tpu.wait_dma2 semaphore(%run_scoped3A : memref<!tpu.dma_semaphore, #tpu.memory_space<semaphore_mem>>) src(%arg9 : memref<128xf32, #tpu.memory_space<vmem>>) dst(%dma_wait3A_163 : memref<128xf32, #tpu.memory_space<vmem_shared>>)
      tpu.yield
    }) : () -> ()
    %mul3A_53 = arith.constant 640 : i32
    %mul3A_54 = arith.muli %arg1, %mul3A_53 : i32
    %add3A_55 = arith.constant 512 : i32
    %add3A_56 = arith.addi %mul3A_54, %add3A_55 : i32
    "tpu.region"() ({
      %run_scoped3A = tpu.sem_alloc : memref<!tpu.dma_semaphore, #tpu.memory_space<semaphore_mem>>
      %dma_start3A_160 = tpu.memref_slice %arg14[%add3A_56] : memref<10240xf32, #tpu.memory_space<vmem_shared>> -> memref<128xf32, #tpu.memory_space<vmem_shared>>
      %dma_start3A_161 = tpu.memref_slice %arg14[%add3A_56] : memref<10240xf32, #tpu.memory_space<vmem_shared>> -> memref<128xf32, #tpu.memory_space<vmem_shared>>
      tpu.enqueue_dma source(%arg9 : memref<128xf32, #tpu.memory_space<vmem>>) target(%dma_start3A_161 : memref<128xf32, #tpu.memory_space<vmem_shared>>) target_semaphore(%run_scoped3A : memref<!tpu.dma_semaphore, #tpu.memory_space<semaphore_mem>>)
      %dma_wait3A_162 = tpu.memref_slice %arg14[%add3A_56] : memref<10240xf32, #tpu.memory_space<vmem_shared>> -> memref<128xf32, #tpu.memory_space<vmem_shared>>
      %dma_wait3A_163 = tpu.memref_slice %arg14[%add3A_56] : memref<10240xf32, #tpu.memory_space<vmem_shared>> -> memref<128xf32, #tpu.memory_space<vmem_shared>>
      tpu.wait_dma2 semaphore(%run_scoped3A : memref<!tpu.dma_semaphore, #tpu.memory_space<semaphore_mem>>) src(%arg9 : memref<128xf32, #tpu.memory_space<vmem>>) dst(%dma_wait3A_163 : memref<128xf32, #tpu.memory_space<vmem_shared>>)
      tpu.yield
    }) : () -> ()
    %barrier3A = arith.constant 0 : index
    tpu.barrier barrier_id(%barrier3A)
    %mul3A_57 = arith.constant 10240 : i32
    %mul3A_58 = arith.muli %add3A, %mul3A_57 : i32
    %add3A_59 = arith.constant 0 : i32
    %add3A_60 = arith.addi %mul3A_58, %add3A_59 : i32
    %dma_start3A = arith.constant 0 : i32
    %dma_start3A_61 = arith.constant 0 : i32
    %dma_start3A_62 = arith.constant 0 : i32
    %dma_start3A_63 = tpu.memref_slice %arg7[%dma_start3A, %dma_start3A_61, %dma_start3A_62] : memref<4x2x128xi32, #tpu.memory_space<vmem>> -> memref<1x2x128xi32, #tpu.memory_space<vmem>>
    %dma_start3A_64 = tpu.memref_squeeze %dma_start3A_63 : memref<1x2x128xi32, #tpu.memory_space<vmem>> -> memref<2x128xi32, #tpu.memory_space<vmem>>
    %dma_start3A_65 = arith.constant 0 : i32
    %dma_start3A_66 = tpu.memref_slice %arg2[%dma_start3A_65, %add3A_60] : memref<2x327680xi32, #tpu.memory_space<hbm>> -> memref<2x128xi32, #tpu.memory_space<hbm>>
    %dma_start3A_67 = arith.constant 0 : i32
    %dma_start3A_68 = arith.constant 0 : i32
    %dma_start3A_69 = tpu.memref_slice %arg7[%dma_start3A, %dma_start3A_67, %dma_start3A_68] : memref<4x2x128xi32, #tpu.memory_space<vmem>> -> memref<1x2x128xi32, #tpu.memory_space<vmem>>
    %dma_start3A_70 = tpu.memref_squeeze %dma_start3A_69 : memref<1x2x128xi32, #tpu.memory_space<vmem>> -> memref<2x128xi32, #tpu.memory_space<vmem>>
    %dma_start3A_71 = arith.constant 0 : i32
    %dma_start3A_72 = tpu.memref_slice %arg2[%dma_start3A_71, %add3A_60] : memref<2x327680xi32, #tpu.memory_space<hbm>> -> memref<2x128xi32, #tpu.memory_space<hbm>>
    tpu.enqueue_dma source(%dma_start3A_72 : memref<2x128xi32, #tpu.memory_space<hbm>>) target(%dma_start3A_70 : memref<2x128xi32, #tpu.memory_space<vmem>>) target_semaphore(%arg15 : memref<!tpu.dma_semaphore, #tpu.memory_space<semaphore_mem>>)
    %mul3A_73 = arith.constant 10240 : i32
    %mul3A_74 = arith.muli %add3A, %mul3A_73 : i32
    %add3A_75 = arith.constant 128 : i32
    %add3A_76 = arith.addi %mul3A_74, %add3A_75 : i32
    %dma_start3A_77 = arith.constant 1 : i32
    %dma_start3A_78 = arith.constant 0 : i32
    %dma_start3A_79 = arith.constant 0 : i32
    %dma_start3A_80 = tpu.memref_slice %arg7[%dma_start3A_77, %dma_start3A_78, %dma_start3A_79] : memref<4x2x128xi32, #tpu.memory_space<vmem>> -> memref<1x2x128xi32, #tpu.memory_space<vmem>>
    %dma_start3A_81 = tpu.memref_squeeze %dma_start3A_80 : memref<1x2x128xi32, #tpu.memory_space<vmem>> -> memref<2x128xi32, #tpu.memory_space<vmem>>
    %dma_start3A_82 = arith.constant 0 : i32
    %dma_start3A_83 = tpu.memref_slice %arg2[%dma_start3A_82, %add3A_76] : memref<2x327680xi32, #tpu.memory_space<hbm>> -> memref<2x128xi32, #tpu.memory_space<hbm>>
    %dma_start3A_84 = arith.constant 0 : i32
    %dma_start3A_85 = arith.constant 0 : i32
    %dma_start3A_86 = tpu.memref_slice %arg7[%dma_start3A_77, %dma_start3A_84, %dma_start3A_85] : memref<4x2x128xi32, #tpu.memory_space<vmem>> -> memref<1x2x128xi32, #tpu.memory_space<vmem>>
    %dma_start3A_87 = tpu.memref_squeeze %dma_start3A_86 : memref<1x2x128xi32, #tpu.memory_space<vmem>> -> memref<2x128xi32, #tpu.memory_space<vmem>>
    %dma_start3A_88 = arith.constant 0 : i32
    %dma_start3A_89 = tpu.memref_slice %arg2[%dma_start3A_88, %add3A_76] : memref<2x327680xi32, #tpu.memory_space<hbm>> -> memref<2x128xi32, #tpu.memory_space<hbm>>
    tpu.enqueue_dma source(%dma_start3A_89 : memref<2x128xi32, #tpu.memory_space<hbm>>) target(%dma_start3A_87 : memref<2x128xi32, #tpu.memory_space<vmem>>) target_semaphore(%arg16 : memref<!tpu.dma_semaphore, #tpu.memory_space<semaphore_mem>>)
    %mul3A_90 = arith.constant 10240 : i32
    %mul3A_91 = arith.muli %add3A, %mul3A_90 : i32
    %add3A_92 = arith.constant 0 : i32
    %add3A_93 = arith.addi %mul3A_91, %add3A_92 : i32
    %dma_wait3A = arith.constant 0 : i32
    %dma_wait3A_94 = arith.constant 0 : i32
    %dma_wait3A_95 = arith.constant 0 : i32
    %dma_wait3A_96 = tpu.memref_slice %arg7[%dma_wait3A, %dma_wait3A_94, %dma_wait3A_95] : memref<4x2x128xi32, #tpu.memory_space<vmem>> -> memref<1x2x128xi32, #tpu.memory_space<vmem>>
    %dma_wait3A_97 = tpu.memref_squeeze %dma_wait3A_96 : memref<1x2x128xi32, #tpu.memory_space<vmem>> -> memref<2x128xi32, #tpu.memory_space<vmem>>
    %dma_wait3A_98 = arith.constant 0 : i32
    %dma_wait3A_99 = tpu.memref_slice %arg2[%dma_wait3A_98, %add3A_93] : memref<2x327680xi32, #tpu.memory_space<hbm>> -> memref<2x128xi32, #tpu.memory_space<hbm>>
    %dma_wait3A_100 = arith.constant 0 : i32
    %dma_wait3A_101 = arith.constant 0 : i32
    %dma_wait3A_102 = tpu.memref_slice %arg7[%dma_wait3A, %dma_wait3A_100, %dma_wait3A_101] : memref<4x2x128xi32, #tpu.memory_space<vmem>> -> memref<1x2x128xi32, #tpu.memory_space<vmem>>
    %dma_wait3A_103 = tpu.memref_squeeze %dma_wait3A_102 : memref<1x2x128xi32, #tpu.memory_space<vmem>> -> memref<2x128xi32, #tpu.memory_space<vmem>>
    %dma_wait3A_104 = arith.constant 0 : i32
    %dma_wait3A_105 = tpu.memref_slice %arg2[%dma_wait3A_104, %add3A_93] : memref<2x327680xi32, #tpu.memory_space<hbm>> -> memref<2x128xi32, #tpu.memory_space<hbm>>
    tpu.wait_dma2 semaphore(%arg15 : memref<!tpu.dma_semaphore, #tpu.memory_space<semaphore_mem>>) src(%dma_wait3A_105 : memref<2x128xi32, #tpu.memory_space<hbm>>) dst(%dma_wait3A_103 : memref<2x128xi32, #tpu.memory_space<vmem>>)
    %dma_start3A_106 = arith.constant 0 : i32
    %dma_start3A_107 = arith.constant 0 : i32
    %dma_start3A_108 = arith.constant 0 : i32
    %dma_start3A_109 = tpu.memref_slice %arg7[%dma_start3A_106, %dma_start3A_107, %dma_start3A_108] : memref<4x2x128xi32, #tpu.memory_space<vmem>> -> memref<1x1x128xi32, #tpu.memory_space<vmem>>
    %dma_start3A_110 = tpu.memref_squeeze %dma_start3A_109 : memref<1x1x128xi32, #tpu.memory_space<vmem>> -> memref<128xi32, #tpu.memory_space<vmem>>
    %dma_start3A_111 = arith.constant 0 : i32
    %dma_start3A_112 = arith.constant 0 : i32
    %dma_start3A_113 = tpu.memref_slice %arg3[%dma_start3A_111, %dma_start3A_112] : memref<10240x128xf32, #tpu.memory_space<hbm>> -> memref<10240x128xf32, #tpu.memory_space<hbm>>
    tpu.enqueue_indirect_dma source(%dma_start3A_113 : memref<10240x128xf32, #tpu.memory_space<hbm>>) target(%arg11 : memref<128x128xf32, #tpu.memory_space<vmem>>) offsets(%dma_start3A_110 : memref<128xi32, #tpu.memory_space<vmem>>) semaphore(%arg19 : memref<!tpu.dma_semaphore, #tpu.memory_space<semaphore_mem>>)
    %scan3A_114 = arith.constant 0 : i32
    %scan3A_115 = arith.constant 0 : i32
    %scan3A_116 = arith.constant 20 : i32
    %scan3A_117 = arith.addi %scan3A_115, %scan3A_116 : i32
    %scan3A_118 = arith.constant 1 : i32
    %scan3A_119 = scf.for %scan3A_160 = %scan3A_115 to %scan3A_117 step %scan3A_118 iter_args(%scan3A_161 = %scan3A_114) -> (i32)  : i32 {
      %mul3A_162 = arith.constant 4 : i32
      %mul3A_163 = arith.muli %mul3A_162, %scan3A_160 : i32
      %add3A_164 = arith.constant 1 : i32
      %add3A_165 = arith.addi %mul3A_163, %add3A_164 : i32
      %mul3A_166 = arith.constant 10240 : i32
      %mul3A_167 = arith.muli %add3A, %mul3A_166 : i32
      %mul3A_168 = arith.constant 128 : i32
      %mul3A_169 = arith.muli %add3A_165, %mul3A_168 : i32
      %add3A_170 = arith.addi %mul3A_167, %mul3A_169 : i32
      %dma_wait3A_171 = arith.constant 1 : i32
      %dma_wait3A_172 = arith.constant 0 : i32
      %dma_wait3A_173 = arith.constant 0 : i32
      %dma_wait3A_174 = tpu.memref_slice %arg7[%dma_wait3A_171, %dma_wait3A_172, %dma_wait3A_173] : memref<4x2x128xi32, #tpu.memory_space<vmem>> -> memref<1x2x128xi32, #tpu.memory_space<vmem>>
      %dma_wait3A_175 = tpu.memref_squeeze %dma_wait3A_174 : memref<1x2x128xi32, #tpu.memory_space<vmem>> -> memref<2x128xi32, #tpu.memory_space<vmem>>
      %dma_wait3A_176 = arith.constant 0 : i32
      %dma_wait3A_177 = tpu.memref_slice %arg2[%dma_wait3A_176, %add3A_170] : memref<2x327680xi32, #tpu.memory_space<hbm>> -> memref<2x128xi32, #tpu.memory_space<hbm>>
      %dma_wait3A_178 = arith.constant 0 : i32
      %dma_wait3A_179 = arith.constant 0 : i32
      %dma_wait3A_180 = tpu.memref_slice %arg7[%dma_wait3A_171, %dma_wait3A_178, %dma_wait3A_179] : memref<4x2x128xi32, #tpu.memory_space<vmem>> -> memref<1x2x128xi32, #tpu.memory_space<vmem>>
      %dma_wait3A_181 = tpu.memref_squeeze %dma_wait3A_180 : memref<1x2x128xi32, #tpu.memory_space<vmem>> -> memref<2x128xi32, #tpu.memory_space<vmem>>
      %dma_wait3A_182 = arith.constant 0 : i32
      %dma_wait3A_183 = tpu.memref_slice %arg2[%dma_wait3A_182, %add3A_170] : memref<2x327680xi32, #tpu.memory_space<hbm>> -> memref<2x128xi32, #tpu.memory_space<hbm>>
      tpu.wait_dma2 semaphore(%arg16 : memref<!tpu.dma_semaphore, #tpu.memory_space<semaphore_mem>>) src(%dma_wait3A_183 : memref<2x128xi32, #tpu.memory_space<hbm>>) dst(%dma_wait3A_181 : memref<2x128xi32, #tpu.memory_space<vmem>>)
      %add3A_184 = arith.constant 1 : i32
      %add3A_185 = arith.addi %mul3A_163, %add3A_184 : i32
      %ge3A = arith.constant 2 : i32
      %ge3A_186 = arith.cmpi sge, %add3A_185, %ge3A : i32
      %convert_element_type3A = arith.extui %ge3A_186 : i1 to i32
      %cond3A = arith.constant 0 : i32
      %cond3A_187 = arith.cmpi ne, %convert_element_type3A, %cond3A : i32
      scf.if %cond3A_187 {
        %dma_wait3A_702 = arith.constant 3 : i32
        %dma_wait3A_703 = arith.constant 1 : i32
        %dma_wait3A_704 = arith.constant 0 : i32
        %dma_wait3A_705 = tpu.memref_slice %arg7[%dma_wait3A_702, %dma_wait3A_703, %dma_wait3A_704] : memref<4x2x128xi32, #tpu.memory_space<vmem>> -> memref<1x1x128xi32, #tpu.memory_space<vmem>>
        %dma_wait3A_706 = tpu.memref_squeeze %dma_wait3A_705 : memref<1x1x128xi32, #tpu.memory_space<vmem>> -> memref<128xi32, #tpu.memory_space<vmem>>
        %dma_wait3A_707 = arith.constant 0 : i32
        %dma_wait3A_708 = arith.constant 0 : i32
        %dma_wait3A_709 = tpu.memref_slice %arg13[%dma_wait3A_707, %dma_wait3A_708] : memref<10240x128xf32, #tpu.memory_space<vmem_shared>> -> memref<10240x128xf32, #tpu.memory_space<vmem_shared>>
        tpu.wait_indirect_dma semaphore(%arg22 : memref<!tpu.dma_semaphore, #tpu.memory_space<semaphore_mem>>) src(%arg12 : memref<128x128xf32, #tpu.memory_space<vmem>>) dst(%dma_wait3A_709 : memref<10240x128xf32, #tpu.memory_space<vmem_shared>>)
      } else {
      }
      %dma_start3A_188 = arith.constant 1 : i32
      %dma_start3A_189 = arith.constant 0 : i32
      %dma_start3A_190 = arith.constant 0 : i32
      %dma_start3A_191 = tpu.memref_slice %arg7[%dma_start3A_188, %dma_start3A_189, %dma_start3A_190] : memref<4x2x128xi32, #tpu.memory_space<vmem>> -> memref<1x1x128xi32, #tpu.memory_space<vmem>>
      %dma_start3A_192 = tpu.memref_squeeze %dma_start3A_191 : memref<1x1x128xi32, #tpu.memory_space<vmem>> -> memref<128xi32, #tpu.memory_space<vmem>>
      %dma_start3A_193 = arith.constant 0 : i32
      %dma_start3A_194 = arith.constant 0 : i32
      %dma_start3A_195 = tpu.memref_slice %arg3[%dma_start3A_193, %dma_start3A_194] : memref<10240x128xf32, #tpu.memory_space<hbm>> -> memref<10240x128xf32, #tpu.memory_space<hbm>>
      tpu.enqueue_indirect_dma source(%dma_start3A_195 : memref<10240x128xf32, #tpu.memory_space<hbm>>) target(%arg12 : memref<128x128xf32, #tpu.memory_space<vmem>>) offsets(%dma_start3A_192 : memref<128xi32, #tpu.memory_space<vmem>>) semaphore(%arg20 : memref<!tpu.dma_semaphore, #tpu.memory_space<semaphore_mem>>)
      %ge3A_196 = arith.constant 2 : i32
      %ge3A_197 = arith.cmpi sge, %mul3A_163, %ge3A_196 : i32
      %convert_element_type3A_198 = arith.extui %ge3A_197 : i1 to i32
      %cond3A_199 = arith.constant 0 : i32
      %cond3A_200 = arith.cmpi ne, %convert_element_type3A_198, %cond3A_199 : i32
      scf.if %cond3A_200 {
        %dma_wait3A_702 = arith.constant 2 : i32
        %dma_wait3A_703 = arith.constant 0 : i32
        %dma_wait3A_704 = arith.constant 0 : i32
        %dma_wait3A_705 = tpu.memref_slice %arg7[%dma_wait3A_702, %dma_wait3A_703, %dma_wait3A_704] : memref<4x2x128xi32, #tpu.memory_space<vmem>> -> memref<1x1x128xi32, #tpu.memory_space<vmem>>
        %dma_wait3A_706 = tpu.memref_squeeze %dma_wait3A_705 : memref<1x1x128xi32, #tpu.memory_space<vmem>> -> memref<128xi32, #tpu.memory_space<vmem>>
        %dma_wait3A_707 = arith.constant 0 : i32
        %dma_wait3A_708 = tpu.memref_slice %arg14[%dma_wait3A_707] : memref<10240xf32, #tpu.memory_space<vmem_shared>> -> memref<10240xf32, #tpu.memory_space<vmem_shared>>
        tpu.wait_indirect_dma semaphore(%arg23 : memref<!tpu.dma_semaphore, #tpu.memory_space<semaphore_mem>>) src(%arg9 : memref<128xf32, #tpu.memory_space<vmem>>) dst(%dma_wait3A_708 : memref<10240xf32, #tpu.memory_space<vmem_shared>>)
      } else {
      }
      %add3A_201 = arith.constant 2 : i32
      %add3A_202 = arith.addi %mul3A_163, %add3A_201 : i32
      %lt3A = arith.constant 80 : i32
      %lt3A_203 = arith.cmpi slt, %add3A_202, %lt3A : i32
      %convert_element_type3A_204 = arith.extui %lt3A_203 : i1 to i32
      %cond3A_205 = arith.constant 0 : i32
      %cond3A_206 = arith.cmpi ne, %convert_element_type3A_204, %cond3A_205 : i32
      scf.if %cond3A_206 {
        %add3A_702 = arith.constant 2 : i32
        %add3A_703 = arith.addi %mul3A_163, %add3A_702 : i32
        %mul3A_704 = arith.constant 10240 : i32
        %mul3A_705 = arith.muli %add3A, %mul3A_704 : i32
        %mul3A_706 = arith.constant 128 : i32
        %mul3A_707 = arith.muli %add3A_703, %mul3A_706 : i32
        %add3A_708 = arith.addi %mul3A_705, %mul3A_707 : i32
        %dma_start3A_709 = arith.constant 2 : i32
        %dma_start3A_710 = arith.constant 0 : i32
        %dma_start3A_711 = arith.constant 0 : i32
        %dma_start3A_712 = tpu.memref_slice %arg7[%dma_start3A_709, %dma_start3A_710, %dma_start3A_711] : memref<4x2x128xi32, #tpu.memory_space<vmem>> -> memref<1x2x128xi32, #tpu.memory_space<vmem>>
        %dma_start3A_713 = tpu.memref_squeeze %dma_start3A_712 : memref<1x2x128xi32, #tpu.memory_space<vmem>> -> memref<2x128xi32, #tpu.memory_space<vmem>>
        %dma_start3A_714 = arith.constant 0 : i32
        %dma_start3A_715 = tpu.memref_slice %arg2[%dma_start3A_714, %add3A_708] : memref<2x327680xi32, #tpu.memory_space<hbm>> -> memref<2x128xi32, #tpu.memory_space<hbm>>
        %dma_start3A_716 = arith.constant 0 : i32
        %dma_start3A_717 = arith.constant 0 : i32
        %dma_start3A_718 = tpu.memref_slice %arg7[%dma_start3A_709, %dma_start3A_716, %dma_start3A_717] : memref<4x2x128xi32, #tpu.memory_space<vmem>> -> memref<1x2x128xi32, #tpu.memory_space<vmem>>
        %dma_start3A_719 = tpu.memref_squeeze %dma_start3A_718 : memref<1x2x128xi32, #tpu.memory_space<vmem>> -> memref<2x128xi32, #tpu.memory_space<vmem>>
        %dma_start3A_720 = arith.constant 0 : i32
        %dma_start3A_721 = tpu.memref_slice %arg2[%dma_start3A_720, %add3A_708] : memref<2x327680xi32, #tpu.memory_space<hbm>> -> memref<2x128xi32, #tpu.memory_space<hbm>>
        tpu.enqueue_dma source(%dma_start3A_721 : memref<2x128xi32, #tpu.memory_space<hbm>>) target(%dma_start3A_719 : memref<2x128xi32, #tpu.memory_space<vmem>>) target_semaphore(%arg17 : memref<!tpu.dma_semaphore, #tpu.memory_space<semaphore_mem>>)
      } else {
      }
      %get3A = arith.constant 0 : i32
      %get3A_207 = arith.constant 1 : i32
      %get3A_208 = arith.index_cast %get3A : i32 to index
      %get3A_209 = arith.index_cast %get3A_207 : i32 to index
      %get3A_210 = arith.constant 0 : index
      %get3A_211 = tpu.vector_load %arg7[%get3A_208, %get3A_209, %get3A_210] {strides = array<i32>} : memref<4x2x128xi32, #tpu.memory_space<vmem>>, vector<16xi32>,
      %gather3A = tpu.vector_load_idx %arg8[%get3A_211] : memref<10240xf32, #tpu.memory_space<vmem>>[vector<16xi32>], vector<16xf32>,
      %swap3A = arith.constant 0 : index
      %swap3A_212 = tpu.vector_load %arg9[%swap3A] {strides = array<i32>} : memref<128xf32, #tpu.memory_space<vmem>>, vector<16xf32>,
      tpu.vector_store %arg9[%swap3A], %gather3A {strides = array<i32>} : memref<128xf32, #tpu.memory_space<vmem>>, vector<16xf32>,
      %get3A_213 = arith.constant 0 : i32
      %get3A_214 = arith.constant 1 : i32
      %get3A_215 = arith.index_cast %get3A_213 : i32 to index
      %get3A_216 = arith.index_cast %get3A_214 : i32 to index
      %get3A_217 = arith.constant 16 : index
      %get3A_218 = tpu.vector_load %arg7[%get3A_215, %get3A_216, %get3A_217] {strides = array<i32>} : memref<4x2x128xi32, #tpu.memory_space<vmem>>, vector<16xi32>,
      %gather3A_219 = tpu.vector_load_idx %arg8[%get3A_218] : memref<10240xf32, #tpu.memory_space<vmem>>[vector<16xi32>], vector<16xf32>,
      %swap3A_220 = arith.constant 16 : index
      %swap3A_221 = tpu.vector_load %arg9[%swap3A_220] {strides = array<i32>} : memref<128xf32, #tpu.memory_space<vmem>>, vector<16xf32>,
      tpu.vector_store %arg9[%swap3A_220], %gather3A_219 {strides = array<i32>} : memref<128xf32, #tpu.memory_space<vmem>>, vector<16xf32>,
      %get3A_222 = arith.constant 0 : i32
      %get3A_223 = arith.constant 1 : i32
      %get3A_224 = arith.index_cast %get3A_222 : i32 to index
      %get3A_225 = arith.index_cast %get3A_223 : i32 to index
      %get3A_226 = arith.constant 32 : index
      %get3A_227 = tpu.vector_load %arg7[%get3A_224, %get3A_225, %get3A_226] {strides = array<i32>} : memref<4x2x128xi32, #tpu.memory_space<vmem>>, vector<16xi32>,
      %gather3A_228 = tpu.vector_load_idx %arg8[%get3A_227] : memref<10240xf32, #tpu.memory_space<vmem>>[vector<16xi32>], vector<16xf32>,
      %swap3A_229 = arith.constant 32 : index
      %swap3A_230 = tpu.vector_load %arg9[%swap3A_229] {strides = array<i32>} : memref<128xf32, #tpu.memory_space<vmem>>, vector<16xf32>,
      tpu.vector_store %arg9[%swap3A_229], %gather3A_228 {strides = array<i32>} : memref<128xf32, #tpu.memory_space<vmem>>, vector<16xf32>,
      %get3A_231 = arith.constant 0 : i32
      %get3A_232 = arith.constant 1 : i32
      %get3A_233 = arith.index_cast %get3A_231 : i32 to index
      %get3A_234 = arith.index_cast %get3A_232 : i32 to index
      %get3A_235 = arith.constant 48 : index
      %get3A_236 = tpu.vector_load %arg7[%get3A_233, %get3A_234, %get3A_235] {strides = array<i32>} : memref<4x2x128xi32, #tpu.memory_space<vmem>>, vector<16xi32>,
      %gather3A_237 = tpu.vector_load_idx %arg8[%get3A_236] : memref<10240xf32, #tpu.memory_space<vmem>>[vector<16xi32>], vector<16xf32>,
      %swap3A_238 = arith.constant 48 : index
      %swap3A_239 = tpu.vector_load %arg9[%swap3A_238] {strides = array<i32>} : memref<128xf32, #tpu.memory_space<vmem>>, vector<16xf32>,
      tpu.vector_store %arg9[%swap3A_238], %gather3A_237 {strides = array<i32>} : memref<128xf32, #tpu.memory_space<vmem>>, vector<16xf32>,
      %get3A_240 = arith.constant 0 : i32
      %get3A_241 = arith.constant 1 : i32
      %get3A_242 = arith.index_cast %get3A_240 : i32 to index
      %get3A_243 = arith.index_cast %get3A_241 : i32 to index
      %get3A_244 = arith.constant 64 : index
      %get3A_245 = tpu.vector_load %arg7[%get3A_242, %get3A_243, %get3A_244] {strides = array<i32>} : memref<4x2x128xi32, #tpu.memory_space<vmem>>, vector<16xi32>,
      %gather3A_246 = tpu.vector_load_idx %arg8[%get3A_245] : memref<10240xf32, #tpu.memory_space<vmem>>[vector<16xi32>], vector<16xf32>,
      %swap3A_247 = arith.constant 64 : index
      %swap3A_248 = tpu.vector_load %arg9[%swap3A_247] {strides = array<i32>} : memref<128xf32, #tpu.memory_space<vmem>>, vector<16xf32>,
      tpu.vector_store %arg9[%swap3A_247], %gather3A_246 {strides = array<i32>} : memref<128xf32, #tpu.memory_space<vmem>>, vector<16xf32>,
      %get3A_249 = arith.constant 0 : i32
      %get3A_250 = arith.constant 1 : i32
      %get3A_251 = arith.index_cast %get3A_249 : i32 to index
      %get3A_252 = arith.index_cast %get3A_250 : i32 to index
      %get3A_253 = arith.constant 80 : index
      %get3A_254 = tpu.vector_load %arg7[%get3A_251, %get3A_252, %get3A_253] {strides = array<i32>} : memref<4x2x128xi32, #tpu.memory_space<vmem>>, vector<16xi32>,
      %gather3A_255 = tpu.vector_load_idx %arg8[%get3A_254] : memref<10240xf32, #tpu.memory_space<vmem>>[vector<16xi32>], vector<16xf32>,
      %swap3A_256 = arith.constant 80 : index
      %swap3A_257 = tpu.vector_load %arg9[%swap3A_256] {strides = array<i32>} : memref<128xf32, #tpu.memory_space<vmem>>, vector<16xf32>,
      tpu.vector_store %arg9[%swap3A_256], %gather3A_255 {strides = array<i32>} : memref<128xf32, #tpu.memory_space<vmem>>, vector<16xf32>,
      %get3A_258 = arith.constant 0 : i32
      %get3A_259 = arith.constant 1 : i32
      %get3A_260 = arith.index_cast %get3A_258 : i32 to index
      %get3A_261 = arith.index_cast %get3A_259 : i32 to index
      %get3A_262 = arith.constant 96 : index
      %get3A_263 = tpu.vector_load %arg7[%get3A_260, %get3A_261, %get3A_262] {strides = array<i32>} : memref<4x2x128xi32, #tpu.memory_space<vmem>>, vector<16xi32>,
      %gather3A_264 = tpu.vector_load_idx %arg8[%get3A_263] : memref<10240xf32, #tpu.memory_space<vmem>>[vector<16xi32>], vector<16xf32>,
      %swap3A_265 = arith.constant 96 : index
      %swap3A_266 = tpu.vector_load %arg9[%swap3A_265] {strides = array<i32>} : memref<128xf32, #tpu.memory_space<vmem>>, vector<16xf32>,
      tpu.vector_store %arg9[%swap3A_265], %gather3A_264 {strides = array<i32>} : memref<128xf32, #tpu.memory_space<vmem>>, vector<16xf32>,
      %get3A_267 = arith.constant 0 : i32
      %get3A_268 = arith.constant 1 : i32
      %get3A_269 = arith.index_cast %get3A_267 : i32 to index
      %get3A_270 = arith.index_cast %get3A_268 : i32 to index
      %get3A_271 = arith.constant 112 : index
      %get3A_272 = tpu.vector_load %arg7[%get3A_269, %get3A_270, %get3A_271] {strides = array<i32>} : memref<4x2x128xi32, #tpu.memory_space<vmem>>, vector<16xi32>,
      %gather3A_273 = tpu.vector_load_idx %arg8[%get3A_272] : memref<10240xf32, #tpu.memory_space<vmem>>[vector<16xi32>], vector<16xf32>,
      %swap3A_274 = arith.constant 112 : index
      %swap3A_275 = tpu.vector_load %arg9[%swap3A_274] {strides = array<i32>} : memref<128xf32, #tpu.memory_space<vmem>>, vector<16xf32>,
      tpu.vector_store %arg9[%swap3A_274], %gather3A_273 {strides = array<i32>} : memref<128xf32, #tpu.memory_space<vmem>>, vector<16xf32>,
      %dma_wait3A_276 = arith.constant 0 : i32
      %dma_wait3A_277 = arith.constant 0 : i32
      %dma_wait3A_278 = arith.constant 0 : i32
      %dma_wait3A_279 = tpu.memref_slice %arg7[%dma_wait3A_276, %dma_wait3A_277, %dma_wait3A_278] : memref<4x2x128xi32, #tpu.memory_space<vmem>> -> memref<1x1x128xi32, #tpu.memory_space<vmem>>
      %dma_wait3A_280 = tpu.memref_squeeze %dma_wait3A_279 : memref<1x1x128xi32, #tpu.memory_space<vmem>> -> memref<128xi32, #tpu.memory_space<vmem>>
      %dma_wait3A_281 = arith.constant 0 : i32
      %dma_wait3A_282 = arith.constant 0 : i32
      %dma_wait3A_283 = tpu.memref_slice %arg3[%dma_wait3A_281, %dma_wait3A_282] : memref<10240x128xf32, #tpu.memory_space<hbm>> -> memref<10240x128xf32, #tpu.memory_space<hbm>>
      tpu.wait_indirect_dma semaphore(%arg19 : memref<!tpu.dma_semaphore, #tpu.memory_space<semaphore_mem>>) src(%dma_wait3A_283 : memref<10240x128xf32, #tpu.memory_space<hbm>>) dst(%arg11 : memref<128x128xf32, #tpu.memory_space<vmem>>)
      %dma_start3A_284 = arith.constant 0 : i32
      %dma_start3A_285 = arith.constant 1 : i32
      %dma_start3A_286 = arith.constant 0 : i32
      %dma_start3A_287 = tpu.memref_slice %arg7[%dma_start3A_284, %dma_start3A_285, %dma_start3A_286] : memref<4x2x128xi32, #tpu.memory_space<vmem>> -> memref<1x1x128xi32, #tpu.memory_space<vmem>>
      %dma_start3A_288 = tpu.memref_squeeze %dma_start3A_287 : memref<1x1x128xi32, #tpu.memory_space<vmem>> -> memref<128xi32, #tpu.memory_space<vmem>>
      %dma_start3A_289 = arith.constant 0 : i32
      %dma_start3A_290 = arith.constant 0 : i32
      %dma_start3A_291 = tpu.memref_slice %arg13[%dma_start3A_289, %dma_start3A_290] : memref<10240x128xf32, #tpu.memory_space<vmem_shared>> -> memref<10240x128xf32, #tpu.memory_space<vmem_shared>>
      tpu.enqueue_indirect_dma source(%arg11 : memref<128x128xf32, #tpu.memory_space<vmem>>) target(%dma_start3A_291 : memref<10240x128xf32, #tpu.memory_space<vmem_shared>>) offsets(%dma_start3A_288 : memref<128xi32, #tpu.memory_space<vmem>>) semaphore(%arg21 : memref<!tpu.dma_semaphore, #tpu.memory_space<semaphore_mem>>) {add = true}
      %dma_start3A_292 = arith.constant 0 : i32
      %dma_start3A_293 = arith.constant 0 : i32
      %dma_start3A_294 = arith.constant 0 : i32
      %dma_start3A_295 = tpu.memref_slice %arg7[%dma_start3A_292, %dma_start3A_293, %dma_start3A_294] : memref<4x2x128xi32, #tpu.memory_space<vmem>> -> memref<1x1x128xi32, #tpu.memory_space<vmem>>
      %dma_start3A_296 = tpu.memref_squeeze %dma_start3A_295 : memref<1x1x128xi32, #tpu.memory_space<vmem>> -> memref<128xi32, #tpu.memory_space<vmem>>
      %dma_start3A_297 = arith.constant 0 : i32
      %dma_start3A_298 = tpu.memref_slice %arg14[%dma_start3A_297] : memref<10240xf32, #tpu.memory_space<vmem_shared>> -> memref<10240xf32, #tpu.memory_space<vmem_shared>>
      tpu.enqueue_indirect_dma source(%arg9 : memref<128xf32, #tpu.memory_space<vmem>>) target(%dma_start3A_298 : memref<10240xf32, #tpu.memory_space<vmem_shared>>) offsets(%dma_start3A_296 : memref<128xi32, #tpu.memory_space<vmem>>) semaphore(%arg23 : memref<!tpu.dma_semaphore, #tpu.memory_space<semaphore_mem>>) {add = true}
      %add3A_299 = arith.constant 2 : i32
      %add3A_300 = arith.addi %mul3A_163, %add3A_299 : i32
      %mul3A_301 = arith.constant 10240 : i32
      %mul3A_302 = arith.muli %add3A, %mul3A_301 : i32
      %mul3A_303 = arith.constant 128 : i32
      %mul3A_304 = arith.muli %add3A_300, %mul3A_303 : i32
      %add3A_305 = arith.addi %mul3A_302, %mul3A_304 : i32
      %dma_wait3A_306 = arith.constant 2 : i32
      %dma_wait3A_307 = arith.constant 0 : i32
      %dma_wait3A_308 = arith.constant 0 : i32
      %dma_wait3A_309 = tpu.memref_slice %arg7[%dma_wait3A_306, %dma_wait3A_307, %dma_wait3A_308] : memref<4x2x128xi32, #tpu.memory_space<vmem>> -> memref<1x2x128xi32, #tpu.memory_space<vmem>>
      %dma_wait3A_310 = tpu.memref_squeeze %dma_wait3A_309 : memref<1x2x128xi32, #tpu.memory_space<vmem>> -> memref<2x128xi32, #tpu.memory_space<vmem>>
      %dma_wait3A_311 = arith.constant 0 : i32
      %dma_wait3A_312 = tpu.memref_slice %arg2[%dma_wait3A_311, %add3A_305] : memref<2x327680xi32, #tpu.memory_space<hbm>> -> memref<2x128xi32, #tpu.memory_space<hbm>>
      %dma_wait3A_313 = arith.constant 0 : i32
      %dma_wait3A_314 = arith.constant 0 : i32
      %dma_wait3A_315 = tpu.memref_slice %arg7[%dma_wait3A_306, %dma_wait3A_313, %dma_wait3A_314] : memref<4x2x128xi32, #tpu.memory_space<vmem>> -> memref<1x2x128xi32, #tpu.memory_space<vmem>>
      %dma_wait3A_316 = tpu.memref_squeeze %dma_wait3A_315 : memref<1x2x128xi32, #tpu.memory_space<vmem>> -> memref<2x128xi32, #tpu.memory_space<vmem>>
      %dma_wait3A_317 = arith.constant 0 : i32
      %dma_wait3A_318 = tpu.memref_slice %arg2[%dma_wait3A_317, %add3A_305] : memref<2x327680xi32, #tpu.memory_space<hbm>> -> memref<2x128xi32, #tpu.memory_space<hbm>>
      tpu.wait_dma2 semaphore(%arg17 : memref<!tpu.dma_semaphore, #tpu.memory_space<semaphore_mem>>) src(%dma_wait3A_318 : memref<2x128xi32, #tpu.memory_space<hbm>>) dst(%dma_wait3A_316 : memref<2x128xi32, #tpu.memory_space<vmem>>)
      %add3A_319 = arith.constant 2 : i32
      %add3A_320 = arith.addi %mul3A_163, %add3A_319 : i32
      %ge3A_321 = arith.constant 2 : i32
      %ge3A_322 = arith.cmpi sge, %add3A_320, %ge3A_321 : i32
      %convert_element_type3A_323 = arith.extui %ge3A_322 : i1 to i32
      %cond3A_324 = arith.constant 0 : i32
      %cond3A_325 = arith.cmpi ne, %convert_element_type3A_323, %cond3A_324 : i32
      scf.if %cond3A_325 {
        %dma_wait3A_702 = arith.constant 0 : i32
        %dma_wait3A_703 = arith.constant 1 : i32
        %dma_wait3A_704 = arith.constant 0 : i32
        %dma_wait3A_705 = tpu.memref_slice %arg7[%dma_wait3A_702, %dma_wait3A_703, %dma_wait3A_704] : memref<4x2x128xi32, #tpu.memory_space<vmem>> -> memref<1x1x128xi32, #tpu.memory_space<vmem>>
        %dma_wait3A_706 = tpu.memref_squeeze %dma_wait3A_705 : memref<1x1x128xi32, #tpu.memory_space<vmem>> -> memref<128xi32, #tpu.memory_space<vmem>>
        %dma_wait3A_707 = arith.constant 0 : i32
        %dma_wait3A_708 = arith.constant 0 : i32
        %dma_wait3A_709 = tpu.memref_slice %arg13[%dma_wait3A_707, %dma_wait3A_708] : memref<10240x128xf32, #tpu.memory_space<vmem_shared>> -> memref<10240x128xf32, #tpu.memory_space<vmem_shared>>
        tpu.wait_indirect_dma semaphore(%arg21 : memref<!tpu.dma_semaphore, #tpu.memory_space<semaphore_mem>>) src(%arg11 : memref<128x128xf32, #tpu.memory_space<vmem>>) dst(%dma_wait3A_709 : memref<10240x128xf32, #tpu.memory_space<vmem_shared>>)
      } else {
      }
      %dma_start3A_326 = arith.constant 2 : i32
      %dma_start3A_327 = arith.constant 0 : i32
      %dma_start3A_328 = arith.constant 0 : i32
      %dma_start3A_329 = tpu.memref_slice %arg7[%dma_start3A_326, %dma_start3A_327, %dma_start3A_328] : memref<4x2x128xi32, #tpu.memory_space<vmem>> -> memref<1x1x128xi32, #tpu.memory_space<vmem>>
      %dma_start3A_330 = tpu.memref_squeeze %dma_start3A_329 : memref<1x1x128xi32, #tpu.memory_space<vmem>> -> memref<128xi32, #tpu.memory_space<vmem>>
      %dma_start3A_331 = arith.constant 0 : i32
      %dma_start3A_332 = arith.constant 0 : i32
      %dma_start3A_333 = tpu.memref_slice %arg3[%dma_start3A_331, %dma_start3A_332] : memref<10240x128xf32, #tpu.memory_space<hbm>> -> memref<10240x128xf32, #tpu.memory_space<hbm>>
      tpu.enqueue_indirect_dma source(%dma_start3A_333 : memref<10240x128xf32, #tpu.memory_space<hbm>>) target(%arg11 : memref<128x128xf32, #tpu.memory_space<vmem>>) offsets(%dma_start3A_330 : memref<128xi32, #tpu.memory_space<vmem>>) semaphore(%arg19 : memref<!tpu.dma_semaphore, #tpu.memory_space<semaphore_mem>>)
      %add3A_334 = arith.constant 1 : i32
      %add3A_335 = arith.addi %mul3A_163, %add3A_334 : i32
      %ge3A_336 = arith.constant 2 : i32
      %ge3A_337 = arith.cmpi sge, %add3A_335, %ge3A_336 : i32
      %convert_element_type3A_338 = arith.extui %ge3A_337 : i1 to i32
      %cond3A_339 = arith.constant 0 : i32
      %cond3A_340 = arith.cmpi ne, %convert_element_type3A_338, %cond3A_339 : i32
      scf.if %cond3A_340 {
        %dma_wait3A_702 = arith.constant 3 : i32
        %dma_wait3A_703 = arith.constant 0 : i32
        %dma_wait3A_704 = arith.constant 0 : i32
        %dma_wait3A_705 = tpu.memref_slice %arg7[%dma_wait3A_702, %dma_wait3A_703, %dma_wait3A_704] : memref<4x2x128xi32, #tpu.memory_space<vmem>> -> memref<1x1x128xi32, #tpu.memory_space<vmem>>
        %dma_wait3A_706 = tpu.memref_squeeze %dma_wait3A_705 : memref<1x1x128xi32, #tpu.memory_space<vmem>> -> memref<128xi32, #tpu.memory_space<vmem>>
        %dma_wait3A_707 = arith.constant 0 : i32
        %dma_wait3A_708 = tpu.memref_slice %arg14[%dma_wait3A_707] : memref<10240xf32, #tpu.memory_space<vmem_shared>> -> memref<10240xf32, #tpu.memory_space<vmem_shared>>
        tpu.wait_indirect_dma semaphore(%arg24 : memref<!tpu.dma_semaphore, #tpu.memory_space<semaphore_mem>>) src(%arg10 : memref<128xf32, #tpu.memory_space<vmem>>) dst(%dma_wait3A_708 : memref<10240xf32, #tpu.memory_space<vmem_shared>>)
      } else {
      }
      %add3A_341 = arith.constant 2 : i32
      %add3A_342 = arith.addi %add3A_335, %add3A_341 : i32
      %lt3A_343 = arith.constant 80 : i32
      %lt3A_344 = arith.cmpi slt, %add3A_342, %lt3A_343 : i32
      %convert_element_type3A_345 = arith.extui %lt3A_344 : i1 to i32
      %cond3A_346 = arith.constant 0 : i32
      %cond3A_347 = arith.cmpi ne, %convert_element_type3A_345, %cond3A_346 : i32
      scf.if %cond3A_347 {
        %add3A_702 = arith.constant 2 : i32
        %add3A_703 = arith.addi %add3A_335, %add3A_702 : i32
        %mul3A_704 = arith.constant 10240 : i32
        %mul3A_705 = arith.muli %add3A, %mul3A_704 : i32
        %mul3A_706 = arith.constant 128 : i32
        %mul3A_707 = arith.muli %add3A_703, %mul3A_706 : i32
        %add3A_708 = arith.addi %mul3A_705, %mul3A_707 : i32
        %dma_start3A_709 = arith.constant 3 : i32
        %dma_start3A_710 = arith.constant 0 : i32
        %dma_start3A_711 = arith.constant 0 : i32
        %dma_start3A_712 = tpu.memref_slice %arg7[%dma_start3A_709, %dma_start3A_710, %dma_start3A_711] : memref<4x2x128xi32, #tpu.memory_space<vmem>> -> memref<1x2x128xi32, #tpu.memory_space<vmem>>
        %dma_start3A_713 = tpu.memref_squeeze %dma_start3A_712 : memref<1x2x128xi32, #tpu.memory_space<vmem>> -> memref<2x128xi32, #tpu.memory_space<vmem>>
        %dma_start3A_714 = arith.constant 0 : i32
        %dma_start3A_715 = tpu.memref_slice %arg2[%dma_start3A_714, %add3A_708] : memref<2x327680xi32, #tpu.memory_space<hbm>> -> memref<2x128xi32, #tpu.memory_space<hbm>>
        %dma_start3A_716 = arith.constant 0 : i32
        %dma_start3A_717 = arith.constant 0 : i32
        %dma_start3A_718 = tpu.memref_slice %arg7[%dma_start3A_709, %dma_start3A_716, %dma_start3A_717] : memref<4x2x128xi32, #tpu.memory_space<vmem>> -> memref<1x2x128xi32, #tpu.memory_space<vmem>>
        %dma_start3A_719 = tpu.memref_squeeze %dma_start3A_718 : memref<1x2x128xi32, #tpu.memory_space<vmem>> -> memref<2x128xi32, #tpu.memory_space<vmem>>
        %dma_start3A_720 = arith.constant 0 : i32
        %dma_start3A_721 = tpu.memref_slice %arg2[%dma_start3A_720, %add3A_708] : memref<2x327680xi32, #tpu.memory_space<hbm>> -> memref<2x128xi32, #tpu.memory_space<hbm>>
        tpu.enqueue_dma source(%dma_start3A_721 : memref<2x128xi32, #tpu.memory_space<hbm>>) target(%dma_start3A_719 : memref<2x128xi32, #tpu.memory_space<vmem>>) target_semaphore(%arg18 : memref<!tpu.dma_semaphore, #tpu.memory_space<semaphore_mem>>)
      } else {
      }
      %get3A_348 = arith.constant 1 : i32
      %get3A_349 = arith.constant 1 : i32
      %get3A_350 = arith.index_cast %get3A_348 : i32 to index
      %get3A_351 = arith.index_cast %get3A_349 : i32 to index
      %get3A_352 = arith.constant 0 : index
      %get3A_353 = tpu.vector_load %arg7[%get3A_350, %get3A_351, %get3A_352] {strides = array<i32>} : memref<4x2x128xi32, #tpu.memory_space<vmem>>, vector<16xi32>,
      %gather3A_354 = tpu.vector_load_idx %arg8[%get3A_353] : memref<10240xf32, #tpu.memory_space<vmem>>[vector<16xi32>], vector<16xf32>,
      %swap3A_355 = arith.constant 0 : index
      %swap3A_356 = tpu.vector_load %arg10[%swap3A_355] {strides = array<i32>} : memref<128xf32, #tpu.memory_space<vmem>>, vector<16xf32>,
      tpu.vector_store %arg10[%swap3A_355], %gather3A_354 {strides = array<i32>} : memref<128xf32, #tpu.memory_space<vmem>>, vector<16xf32>,
      %get3A_357 = arith.constant 1 : i32
      %get3A_358 = arith.constant 1 : i32
      %get3A_359 = arith.index_cast %get3A_357 : i32 to index
      %get3A_360 = arith.index_cast %get3A_358 : i32 to index
      %get3A_361 = arith.constant 16 : index
      %get3A_362 = tpu.vector_load %arg7[%get3A_359, %get3A_360, %get3A_361] {strides = array<i32>} : memref<4x2x128xi32, #tpu.memory_space<vmem>>, vector<16xi32>,
      %gather3A_363 = tpu.vector_load_idx %arg8[%get3A_362] : memref<10240xf32, #tpu.memory_space<vmem>>[vector<16xi32>], vector<16xf32>,
      %swap3A_364 = arith.constant 16 : index
      %swap3A_365 = tpu.vector_load %arg10[%swap3A_364] {strides = array<i32>} : memref<128xf32, #tpu.memory_space<vmem>>, vector<16xf32>,
      tpu.vector_store %arg10[%swap3A_364], %gather3A_363 {strides = array<i32>} : memref<128xf32, #tpu.memory_space<vmem>>, vector<16xf32>,
      %get3A_366 = arith.constant 1 : i32
      %get3A_367 = arith.constant 1 : i32
      %get3A_368 = arith.index_cast %get3A_366 : i32 to index
      %get3A_369 = arith.index_cast %get3A_367 : i32 to index
      %get3A_370 = arith.constant 32 : index
      %get3A_371 = tpu.vector_load %arg7[%get3A_368, %get3A_369, %get3A_370] {strides = array<i32>} : memref<4x2x128xi32, #tpu.memory_space<vmem>>, vector<16xi32>,
      %gather3A_372 = tpu.vector_load_idx %arg8[%get3A_371] : memref<10240xf32, #tpu.memory_space<vmem>>[vector<16xi32>], vector<16xf32>,
      %swap3A_373 = arith.constant 32 : index
      %swap3A_374 = tpu.vector_load %arg10[%swap3A_373] {strides = array<i32>} : memref<128xf32, #tpu.memory_space<vmem>>, vector<16xf32>,
      tpu.vector_store %arg10[%swap3A_373], %gather3A_372 {strides = array<i32>} : memref<128xf32, #tpu.memory_space<vmem>>, vector<16xf32>,
      %get3A_375 = arith.constant 1 : i32
      %get3A_376 = arith.constant 1 : i32
      %get3A_377 = arith.index_cast %get3A_375 : i32 to index
      %get3A_378 = arith.index_cast %get3A_376 : i32 to index
      %get3A_379 = arith.constant 48 : index
      %get3A_380 = tpu.vector_load %arg7[%get3A_377, %get3A_378, %get3A_379] {strides = array<i32>} : memref<4x2x128xi32, #tpu.memory_space<vmem>>, vector<16xi32>,
      %gather3A_381 = tpu.vector_load_idx %arg8[%get3A_380] : memref<10240xf32, #tpu.memory_space<vmem>>[vector<16xi32>], vector<16xf32>,
      %swap3A_382 = arith.constant 48 : index
      %swap3A_383 = tpu.vector_load %arg10[%swap3A_382] {strides = array<i32>} : memref<128xf32, #tpu.memory_space<vmem>>, vector<16xf32>,
      tpu.vector_store %arg10[%swap3A_382], %gather3A_381 {strides = array<i32>} : memref<128xf32, #tpu.memory_space<vmem>>, vector<16xf32>,
      %get3A_384 = arith.constant 1 : i32
      %get3A_385 = arith.constant 1 : i32
      %get3A_386 = arith.index_cast %get3A_384 : i32 to index
      %get3A_387 = arith.index_cast %get3A_385 : i32 to index
      %get3A_388 = arith.constant 64 : index
      %get3A_389 = tpu.vector_load %arg7[%get3A_386, %get3A_387, %get3A_388] {strides = array<i32>} : memref<4x2x128xi32, #tpu.memory_space<vmem>>, vector<16xi32>,
      %gather3A_390 = tpu.vector_load_idx %arg8[%get3A_389] : memref<10240xf32, #tpu.memory_space<vmem>>[vector<16xi32>], vector<16xf32>,
      %swap3A_391 = arith.constant 64 : index
      %swap3A_392 = tpu.vector_load %arg10[%swap3A_391] {strides = array<i32>} : memref<128xf32, #tpu.memory_space<vmem>>, vector<16xf32>,
      tpu.vector_store %arg10[%swap3A_391], %gather3A_390 {strides = array<i32>} : memref<128xf32, #tpu.memory_space<vmem>>, vector<16xf32>,
      %get3A_393 = arith.constant 1 : i32
      %get3A_394 = arith.constant 1 : i32
      %get3A_395 = arith.index_cast %get3A_393 : i32 to index
      %get3A_396 = arith.index_cast %get3A_394 : i32 to index
      %get3A_397 = arith.constant 80 : index
      %get3A_398 = tpu.vector_load %arg7[%get3A_395, %get3A_396, %get3A_397] {strides = array<i32>} : memref<4x2x128xi32, #tpu.memory_space<vmem>>, vector<16xi32>,
      %gather3A_399 = tpu.vector_load_idx %arg8[%get3A_398] : memref<10240xf32, #tpu.memory_space<vmem>>[vector<16xi32>], vector<16xf32>,
      %swap3A_400 = arith.constant 80 : index
      %swap3A_401 = tpu.vector_load %arg10[%swap3A_400] {strides = array<i32>} : memref<128xf32, #tpu.memory_space<vmem>>, vector<16xf32>,
      tpu.vector_store %arg10[%swap3A_400], %gather3A_399 {strides = array<i32>} : memref<128xf32, #tpu.memory_space<vmem>>, vector<16xf32>,
      %get3A_402 = arith.constant 1 : i32
      %get3A_403 = arith.constant 1 : i32
      %get3A_404 = arith.index_cast %get3A_402 : i32 to index
      %get3A_405 = arith.index_cast %get3A_403 : i32 to index
      %get3A_406 = arith.constant 96 : index
      %get3A_407 = tpu.vector_load %arg7[%get3A_404, %get3A_405, %get3A_406] {strides = array<i32>} : memref<4x2x128xi32, #tpu.memory_space<vmem>>, vector<16xi32>,
      %gather3A_408 = tpu.vector_load_idx %arg8[%get3A_407] : memref<10240xf32, #tpu.memory_space<vmem>>[vector<16xi32>], vector<16xf32>,
      %swap3A_409 = arith.constant 96 : index
      %swap3A_410 = tpu.vector_load %arg10[%swap3A_409] {strides = array<i32>} : memref<128xf32, #tpu.memory_space<vmem>>, vector<16xf32>,
      tpu.vector_store %arg10[%swap3A_409], %gather3A_408 {strides = array<i32>} : memref<128xf32, #tpu.memory_space<vmem>>, vector<16xf32>,
      %get3A_411 = arith.constant 1 : i32
      %get3A_412 = arith.constant 1 : i32
      %get3A_413 = arith.index_cast %get3A_411 : i32 to index
      %get3A_414 = arith.index_cast %get3A_412 : i32 to index
      %get3A_415 = arith.constant 112 : index
      %get3A_416 = tpu.vector_load %arg7[%get3A_413, %get3A_414, %get3A_415] {strides = array<i32>} : memref<4x2x128xi32, #tpu.memory_space<vmem>>, vector<16xi32>,
      %gather3A_417 = tpu.vector_load_idx %arg8[%get3A_416] : memref<10240xf32, #tpu.memory_space<vmem>>[vector<16xi32>], vector<16xf32>,
      %swap3A_418 = arith.constant 112 : index
      %swap3A_419 = tpu.vector_load %arg10[%swap3A_418] {strides = array<i32>} : memref<128xf32, #tpu.memory_space<vmem>>, vector<16xf32>,
      tpu.vector_store %arg10[%swap3A_418], %gather3A_417 {strides = array<i32>} : memref<128xf32, #tpu.memory_space<vmem>>, vector<16xf32>,
      %dma_wait3A_420 = arith.constant 1 : i32
      %dma_wait3A_421 = arith.constant 0 : i32
      %dma_wait3A_422 = arith.constant 0 : i32
      %dma_wait3A_423 = tpu.memref_slice %arg7[%dma_wait3A_420, %dma_wait3A_421, %dma_wait3A_422] : memref<4x2x128xi32, #tpu.memory_space<vmem>> -> memref<1x1x128xi32, #tpu.memory_space<vmem>>
      %dma_wait3A_424 = tpu.memref_squeeze %dma_wait3A_423 : memref<1x1x128xi32, #tpu.memory_space<vmem>> -> memref<128xi32, #tpu.memory_space<vmem>>
      %dma_wait3A_425 = arith.constant 0 : i32
      %dma_wait3A_426 = arith.constant 0 : i32
      %dma_wait3A_427 = tpu.memref_slice %arg3[%dma_wait3A_425, %dma_wait3A_426] : memref<10240x128xf32, #tpu.memory_space<hbm>> -> memref<10240x128xf32, #tpu.memory_space<hbm>>
      tpu.wait_indirect_dma semaphore(%arg20 : memref<!tpu.dma_semaphore, #tpu.memory_space<semaphore_mem>>) src(%dma_wait3A_427 : memref<10240x128xf32, #tpu.memory_space<hbm>>) dst(%arg12 : memref<128x128xf32, #tpu.memory_space<vmem>>)
      %dma_start3A_428 = arith.constant 1 : i32
      %dma_start3A_429 = arith.constant 1 : i32
      %dma_start3A_430 = arith.constant 0 : i32
      %dma_start3A_431 = tpu.memref_slice %arg7[%dma_start3A_428, %dma_start3A_429, %dma_start3A_430] : memref<4x2x128xi32, #tpu.memory_space<vmem>> -> memref<1x1x128xi32, #tpu.memory_space<vmem>>
      %dma_start3A_432 = tpu.memref_squeeze %dma_start3A_431 : memref<1x1x128xi32, #tpu.memory_space<vmem>> -> memref<128xi32, #tpu.memory_space<vmem>>
      %dma_start3A_433 = arith.constant 0 : i32
      %dma_start3A_434 = arith.constant 0 : i32
      %dma_start3A_435 = tpu.memref_slice %arg13[%dma_start3A_433, %dma_start3A_434] : memref<10240x128xf32, #tpu.memory_space<vmem_shared>> -> memref<10240x128xf32, #tpu.memory_space<vmem_shared>>
      tpu.enqueue_indirect_dma source(%arg12 : memref<128x128xf32, #tpu.memory_space<vmem>>) target(%dma_start3A_435 : memref<10240x128xf32, #tpu.memory_space<vmem_shared>>) offsets(%dma_start3A_432 : memref<128xi32, #tpu.memory_space<vmem>>) semaphore(%arg22 : memref<!tpu.dma_semaphore, #tpu.memory_space<semaphore_mem>>) {add = true}
      %dma_start3A_436 = arith.constant 1 : i32
      %dma_start3A_437 = arith.constant 0 : i32
      %dma_start3A_438 = arith.constant 0 : i32
      %dma_start3A_439 = tpu.memref_slice %arg7[%dma_start3A_436, %dma_start3A_437, %dma_start3A_438] : memref<4x2x128xi32, #tpu.memory_space<vmem>> -> memref<1x1x128xi32, #tpu.memory_space<vmem>>
      %dma_start3A_440 = tpu.memref_squeeze %dma_start3A_439 : memref<1x1x128xi32, #tpu.memory_space<vmem>> -> memref<128xi32, #tpu.memory_space<vmem>>
      %dma_start3A_441 = arith.constant 0 : i32
      %dma_start3A_442 = tpu.memref_slice %arg14[%dma_start3A_441] : memref<10240xf32, #tpu.memory_space<vmem_shared>> -> memref<10240xf32, #tpu.memory_space<vmem_shared>>
      tpu.enqueue_indirect_dma source(%arg10 : memref<128xf32, #tpu.memory_space<vmem>>) target(%dma_start3A_442 : memref<10240xf32, #tpu.memory_space<vmem_shared>>) offsets(%dma_start3A_440 : memref<128xi32, #tpu.memory_space<vmem>>) semaphore(%arg24 : memref<!tpu.dma_semaphore, #tpu.memory_space<semaphore_mem>>) {add = true}
      %add3A_443 = arith.constant 3 : i32
      %add3A_444 = arith.addi %mul3A_163, %add3A_443 : i32
      %mul3A_445 = arith.constant 10240 : i32
      %mul3A_446 = arith.muli %add3A, %mul3A_445 : i32
      %mul3A_447 = arith.constant 128 : i32
      %mul3A_448 = arith.muli %add3A_444, %mul3A_447 : i32
      %add3A_449 = arith.addi %mul3A_446, %mul3A_448 : i32
      %dma_wait3A_450 = arith.constant 3 : i32
      %dma_wait3A_451 = arith.constant 0 : i32
      %dma_wait3A_452 = arith.constant 0 : i32
      %dma_wait3A_453 = tpu.memref_slice %arg7[%dma_wait3A_450, %dma_wait3A_451, %dma_wait3A_452] : memref<4x2x128xi32, #tpu.memory_space<vmem>> -> memref<1x2x128xi32, #tpu.memory_space<vmem>>
      %dma_wait3A_454 = tpu.memref_squeeze %dma_wait3A_453 : memref<1x2x128xi32, #tpu.memory_space<vmem>> -> memref<2x128xi32, #tpu.memory_space<vmem>>
      %dma_wait3A_455 = arith.constant 0 : i32
      %dma_wait3A_456 = tpu.memref_slice %arg2[%dma_wait3A_455, %add3A_449] : memref<2x327680xi32, #tpu.memory_space<hbm>> -> memref<2x128xi32, #tpu.memory_space<hbm>>
      %dma_wait3A_457 = arith.constant 0 : i32
      %dma_wait3A_458 = arith.constant 0 : i32
      %dma_wait3A_459 = tpu.memref_slice %arg7[%dma_wait3A_450, %dma_wait3A_457, %dma_wait3A_458] : memref<4x2x128xi32, #tpu.memory_space<vmem>> -> memref<1x2x128xi32, #tpu.memory_space<vmem>>
      %dma_wait3A_460 = tpu.memref_squeeze %dma_wait3A_459 : memref<1x2x128xi32, #tpu.memory_space<vmem>> -> memref<2x128xi32, #tpu.memory_space<vmem>>
      %dma_wait3A_461 = arith.constant 0 : i32
      %dma_wait3A_462 = tpu.memref_slice %arg2[%dma_wait3A_461, %add3A_449] : memref<2x327680xi32, #tpu.memory_space<hbm>> -> memref<2x128xi32, #tpu.memory_space<hbm>>
      tpu.wait_dma2 semaphore(%arg18 : memref<!tpu.dma_semaphore, #tpu.memory_space<semaphore_mem>>) src(%dma_wait3A_462 : memref<2x128xi32, #tpu.memory_space<hbm>>) dst(%dma_wait3A_460 : memref<2x128xi32, #tpu.memory_space<vmem>>)
      %add3A_463 = arith.constant 3 : i32
      %add3A_464 = arith.addi %mul3A_163, %add3A_463 : i32
      %ge3A_465 = arith.constant 2 : i32
      %ge3A_466 = arith.cmpi sge, %add3A_464, %ge3A_465 : i32
      %convert_element_type3A_467 = arith.extui %ge3A_466 : i1 to i32
      %cond3A_468 = arith.constant 0 : i32
      %cond3A_469 = arith.cmpi ne, %convert_element_type3A_467, %cond3A_468 : i32
      scf.if %cond3A_469 {
        %dma_wait3A_702 = arith.constant 1 : i32
        %dma_wait3A_703 = arith.constant 1 : i32
        %dma_wait3A_704 = arith.constant 0 : i32
        %dma_wait3A_705 = tpu.memref_slice %arg7[%dma_wait3A_702, %dma_wait3A_703, %dma_wait3A_704] : memref<4x2x128xi32, #tpu.memory_space<vmem>> -> memref<1x1x128xi32, #tpu.memory_space<vmem>>
        %dma_wait3A_706 = tpu.memref_squeeze %dma_wait3A_705 : memref<1x1x128xi32, #tpu.memory_space<vmem>> -> memref<128xi32, #tpu.memory_space<vmem>>
        %dma_wait3A_707 = arith.constant 0 : i32
        %dma_wait3A_708 = arith.constant 0 : i32
        %dma_wait3A_709 = tpu.memref_slice %arg13[%dma_wait3A_707, %dma_wait3A_708] : memref<10240x128xf32, #tpu.memory_space<vmem_shared>> -> memref<10240x128xf32, #tpu.memory_space<vmem_shared>>
        tpu.wait_indirect_dma semaphore(%arg22 : memref<!tpu.dma_semaphore, #tpu.memory_space<semaphore_mem>>) src(%arg12 : memref<128x128xf32, #tpu.memory_space<vmem>>) dst(%dma_wait3A_709 : memref<10240x128xf32, #tpu.memory_space<vmem_shared>>)
      } else {
      }
      %dma_start3A_470 = arith.constant 3 : i32
      %dma_start3A_471 = arith.constant 0 : i32
      %dma_start3A_472 = arith.constant 0 : i32
      %dma_start3A_473 = tpu.memref_slice %arg7[%dma_start3A_470, %dma_start3A_471, %dma_start3A_472] : memref<4x2x128xi32, #tpu.memory_space<vmem>> -> memref<1x1x128xi32, #tpu.memory_space<vmem>>
      %dma_start3A_474 = tpu.memref_squeeze %dma_start3A_473 : memref<1x1x128xi32, #tpu.memory_space<vmem>> -> memref<128xi32, #tpu.memory_space<vmem>>
      %dma_start3A_475 = arith.constant 0 : i32
      %dma_start3A_476 = arith.constant 0 : i32
      %dma_start3A_477 = tpu.memref_slice %arg3[%dma_start3A_475, %dma_start3A_476] : memref<10240x128xf32, #tpu.memory_space<hbm>> -> memref<10240x128xf32, #tpu.memory_space<hbm>>
      tpu.enqueue_indirect_dma source(%dma_start3A_477 : memref<10240x128xf32, #tpu.memory_space<hbm>>) target(%arg12 : memref<128x128xf32, #tpu.memory_space<vmem>>) offsets(%dma_start3A_474 : memref<128xi32, #tpu.memory_space<vmem>>) semaphore(%arg20 : memref<!tpu.dma_semaphore, #tpu.memory_space<semaphore_mem>>)
      %add3A_478 = arith.constant 2 : i32
      %add3A_479 = arith.addi %mul3A_163, %add3A_478 : i32
      %ge3A_480 = arith.constant 2 : i32
      %ge3A_481 = arith.cmpi sge, %add3A_479, %ge3A_480 : i32
      %convert_element_type3A_482 = arith.extui %ge3A_481 : i1 to i32
      %cond3A_483 = arith.constant 0 : i32
      %cond3A_484 = arith.cmpi ne, %convert_element_type3A_482, %cond3A_483 : i32
      scf.if %cond3A_484 {
        %dma_wait3A_702 = arith.constant 0 : i32
        %dma_wait3A_703 = arith.constant 0 : i32
        %dma_wait3A_704 = arith.constant 0 : i32
        %dma_wait3A_705 = tpu.memref_slice %arg7[%dma_wait3A_702, %dma_wait3A_703, %dma_wait3A_704] : memref<4x2x128xi32, #tpu.memory_space<vmem>> -> memref<1x1x128xi32, #tpu.memory_space<vmem>>
        %dma_wait3A_706 = tpu.memref_squeeze %dma_wait3A_705 : memref<1x1x128xi32, #tpu.memory_space<vmem>> -> memref<128xi32, #tpu.memory_space<vmem>>
        %dma_wait3A_707 = arith.constant 0 : i32
        %dma_wait3A_708 = tpu.memref_slice %arg14[%dma_wait3A_707] : memref<10240xf32, #tpu.memory_space<vmem_shared>> -> memref<10240xf32, #tpu.memory_space<vmem_shared>>
        tpu.wait_indirect_dma semaphore(%arg23 : memref<!tpu.dma_semaphore, #tpu.memory_space<semaphore_mem>>) src(%arg9 : memref<128xf32, #tpu.memory_space<vmem>>) dst(%dma_wait3A_708 : memref<10240xf32, #tpu.memory_space<vmem_shared>>)
      } else {
      }
      %add3A_485 = arith.constant 2 : i32
      %add3A_486 = arith.addi %add3A_479, %add3A_485 : i32
      %lt3A_487 = arith.constant 80 : i32
      %lt3A_488 = arith.cmpi slt, %add3A_486, %lt3A_487 : i32
      %convert_element_type3A_489 = arith.extui %lt3A_488 : i1 to i32
      %cond3A_490 = arith.constant 0 : i32
      %cond3A_491 = arith.cmpi ne, %convert_element_type3A_489, %cond3A_490 : i32
      scf.if %cond3A_491 {
        %add3A_702 = arith.constant 2 : i32
        %add3A_703 = arith.addi %add3A_479, %add3A_702 : i32
        %mul3A_704 = arith.constant 10240 : i32
        %mul3A_705 = arith.muli %add3A, %mul3A_704 : i32
        %mul3A_706 = arith.constant 128 : i32
        %mul3A_707 = arith.muli %add3A_703, %mul3A_706 : i32
        %add3A_708 = arith.addi %mul3A_705, %mul3A_707 : i32
        %dma_start3A_709 = arith.constant 0 : i32
        %dma_start3A_710 = arith.constant 0 : i32
        %dma_start3A_711 = arith.constant 0 : i32
        %dma_start3A_712 = tpu.memref_slice %arg7[%dma_start3A_709, %dma_start3A_710, %dma_start3A_711] : memref<4x2x128xi32, #tpu.memory_space<vmem>> -> memref<1x2x128xi32, #tpu.memory_space<vmem>>
        %dma_start3A_713 = tpu.memref_squeeze %dma_start3A_712 : memref<1x2x128xi32, #tpu.memory_space<vmem>> -> memref<2x128xi32, #tpu.memory_space<vmem>>
        %dma_start3A_714 = arith.constant 0 : i32
        %dma_start3A_715 = tpu.memref_slice %arg2[%dma_start3A_714, %add3A_708] : memref<2x327680xi32, #tpu.memory_space<hbm>> -> memref<2x128xi32, #tpu.memory_space<hbm>>
        %dma_start3A_716 = arith.constant 0 : i32
        %dma_start3A_717 = arith.constant 0 : i32
        %dma_start3A_718 = tpu.memref_slice %arg7[%dma_start3A_709, %dma_start3A_716, %dma_start3A_717] : memref<4x2x128xi32, #tpu.memory_space<vmem>> -> memref<1x2x128xi32, #tpu.memory_space<vmem>>
        %dma_start3A_719 = tpu.memref_squeeze %dma_start3A_718 : memref<1x2x128xi32, #tpu.memory_space<vmem>> -> memref<2x128xi32, #tpu.memory_space<vmem>>
        %dma_start3A_720 = arith.constant 0 : i32
        %dma_start3A_721 = tpu.memref_slice %arg2[%dma_start3A_720, %add3A_708] : memref<2x327680xi32, #tpu.memory_space<hbm>> -> memref<2x128xi32, #tpu.memory_space<hbm>>
        tpu.enqueue_dma source(%dma_start3A_721 : memref<2x128xi32, #tpu.memory_space<hbm>>) target(%dma_start3A_719 : memref<2x128xi32, #tpu.memory_space<vmem>>) target_semaphore(%arg15 : memref<!tpu.dma_semaphore, #tpu.memory_space<semaphore_mem>>)
      } else {
      }
      %get3A_492 = arith.constant 2 : i32
      %get3A_493 = arith.constant 1 : i32
      %get3A_494 = arith.index_cast %get3A_492 : i32 to index
      %get3A_495 = arith.index_cast %get3A_493 : i32 to index
      %get3A_496 = arith.constant 0 : index
      %get3A_497 = tpu.vector_load %arg7[%get3A_494, %get3A_495, %get3A_496] {strides = array<i32>} : memref<4x2x128xi32, #tpu.memory_space<vmem>>, vector<16xi32>,
      %gather3A_498 = tpu.vector_load_idx %arg8[%get3A_497] : memref<10240xf32, #tpu.memory_space<vmem>>[vector<16xi32>], vector<16xf32>,
      %swap3A_499 = arith.constant 0 : index
      %swap3A_500 = tpu.vector_load %arg9[%swap3A_499] {strides = array<i32>} : memref<128xf32, #tpu.memory_space<vmem>>, vector<16xf32>,
      tpu.vector_store %arg9[%swap3A_499], %gather3A_498 {strides = array<i32>} : memref<128xf32, #tpu.memory_space<vmem>>, vector<16xf32>,
      %get3A_501 = arith.constant 2 : i32
      %get3A_502 = arith.constant 1 : i32
      %get3A_503 = arith.index_cast %get3A_501 : i32 to index
      %get3A_504 = arith.index_cast %get3A_502 : i32 to index
      %get3A_505 = arith.constant 16 : index
      %get3A_506 = tpu.vector_load %arg7[%get3A_503, %get3A_504, %get3A_505] {strides = array<i32>} : memref<4x2x128xi32, #tpu.memory_space<vmem>>, vector<16xi32>,
      %gather3A_507 = tpu.vector_load_idx %arg8[%get3A_506] : memref<10240xf32, #tpu.memory_space<vmem>>[vector<16xi32>], vector<16xf32>,
      %swap3A_508 = arith.constant 16 : index
      %swap3A_509 = tpu.vector_load %arg9[%swap3A_508] {strides = array<i32>} : memref<128xf32, #tpu.memory_space<vmem>>, vector<16xf32>,
      tpu.vector_store %arg9[%swap3A_508], %gather3A_507 {strides = array<i32>} : memref<128xf32, #tpu.memory_space<vmem>>, vector<16xf32>,
      %get3A_510 = arith.constant 2 : i32
      %get3A_511 = arith.constant 1 : i32
      %get3A_512 = arith.index_cast %get3A_510 : i32 to index
      %get3A_513 = arith.index_cast %get3A_511 : i32 to index
      %get3A_514 = arith.constant 32 : index
      %get3A_515 = tpu.vector_load %arg7[%get3A_512, %get3A_513, %get3A_514] {strides = array<i32>} : memref<4x2x128xi32, #tpu.memory_space<vmem>>, vector<16xi32>,
      %gather3A_516 = tpu.vector_load_idx %arg8[%get3A_515] : memref<10240xf32, #tpu.memory_space<vmem>>[vector<16xi32>], vector<16xf32>,
      %swap3A_517 = arith.constant 32 : index
      %swap3A_518 = tpu.vector_load %arg9[%swap3A_517] {strides = array<i32>} : memref<128xf32, #tpu.memory_space<vmem>>, vector<16xf32>,
      tpu.vector_store %arg9[%swap3A_517], %gather3A_516 {strides = array<i32>} : memref<128xf32, #tpu.memory_space<vmem>>, vector<16xf32>,
      %get3A_519 = arith.constant 2 : i32
      %get3A_520 = arith.constant 1 : i32
      %get3A_521 = arith.index_cast %get3A_519 : i32 to index
      %get3A_522 = arith.index_cast %get3A_520 : i32 to index
      %get3A_523 = arith.constant 48 : index
      %get3A_524 = tpu.vector_load %arg7[%get3A_521, %get3A_522, %get3A_523] {strides = array<i32>} : memref<4x2x128xi32, #tpu.memory_space<vmem>>, vector<16xi32>,
      %gather3A_525 = tpu.vector_load_idx %arg8[%get3A_524] : memref<10240xf32, #tpu.memory_space<vmem>>[vector<16xi32>], vector<16xf32>,
      %swap3A_526 = arith.constant 48 : index
      %swap3A_527 = tpu.vector_load %arg9[%swap3A_526] {strides = array<i32>} : memref<128xf32, #tpu.memory_space<vmem>>, vector<16xf32>,
      tpu.vector_store %arg9[%swap3A_526], %gather3A_525 {strides = array<i32>} : memref<128xf32, #tpu.memory_space<vmem>>, vector<16xf32>,
      %get3A_528 = arith.constant 2 : i32
      %get3A_529 = arith.constant 1 : i32
      %get3A_530 = arith.index_cast %get3A_528 : i32 to index
      %get3A_531 = arith.index_cast %get3A_529 : i32 to index
      %get3A_532 = arith.constant 64 : index
      %get3A_533 = tpu.vector_load %arg7[%get3A_530, %get3A_531, %get3A_532] {strides = array<i32>} : memref<4x2x128xi32, #tpu.memory_space<vmem>>, vector<16xi32>,
      %gather3A_534 = tpu.vector_load_idx %arg8[%get3A_533] : memref<10240xf32, #tpu.memory_space<vmem>>[vector<16xi32>], vector<16xf32>,
      %swap3A_535 = arith.constant 64 : index
      %swap3A_536 = tpu.vector_load %arg9[%swap3A_535] {strides = array<i32>} : memref<128xf32, #tpu.memory_space<vmem>>, vector<16xf32>,
      tpu.vector_store %arg9[%swap3A_535], %gather3A_534 {strides = array<i32>} : memref<128xf32, #tpu.memory_space<vmem>>, vector<16xf32>,
      %get3A_537 = arith.constant 2 : i32
      %get3A_538 = arith.constant 1 : i32
      %get3A_539 = arith.index_cast %get3A_537 : i32 to index
      %get3A_540 = arith.index_cast %get3A_538 : i32 to index
      %get3A_541 = arith.constant 80 : index
      %get3A_542 = tpu.vector_load %arg7[%get3A_539, %get3A_540, %get3A_541] {strides = array<i32>} : memref<4x2x128xi32, #tpu.memory_space<vmem>>, vector<16xi32>,
      %gather3A_543 = tpu.vector_load_idx %arg8[%get3A_542] : memref<10240xf32, #tpu.memory_space<vmem>>[vector<16xi32>], vector<16xf32>,
      %swap3A_544 = arith.constant 80 : index
      %swap3A_545 = tpu.vector_load %arg9[%swap3A_544] {strides = array<i32>} : memref<128xf32, #tpu.memory_space<vmem>>, vector<16xf32>,
      tpu.vector_store %arg9[%swap3A_544], %gather3A_543 {strides = array<i32>} : memref<128xf32, #tpu.memory_space<vmem>>, vector<16xf32>,
      %get3A_546 = arith.constant 2 : i32
      %get3A_547 = arith.constant 1 : i32
      %get3A_548 = arith.index_cast %get3A_546 : i32 to index
      %get3A_549 = arith.index_cast %get3A_547 : i32 to index
      %get3A_550 = arith.constant 96 : index
      %get3A_551 = tpu.vector_load %arg7[%get3A_548, %get3A_549, %get3A_550] {strides = array<i32>} : memref<4x2x128xi32, #tpu.memory_space<vmem>>, vector<16xi32>,
      %gather3A_552 = tpu.vector_load_idx %arg8[%get3A_551] : memref<10240xf32, #tpu.memory_space<vmem>>[vector<16xi32>], vector<16xf32>,
      %swap3A_553 = arith.constant 96 : index
      %swap3A_554 = tpu.vector_load %arg9[%swap3A_553] {strides = array<i32>} : memref<128xf32, #tpu.memory_space<vmem>>, vector<16xf32>,
      tpu.vector_store %arg9[%swap3A_553], %gather3A_552 {strides = array<i32>} : memref<128xf32, #tpu.memory_space<vmem>>, vector<16xf32>,
      %get3A_555 = arith.constant 2 : i32
      %get3A_556 = arith.constant 1 : i32
      %get3A_557 = arith.index_cast %get3A_555 : i32 to index
      %get3A_558 = arith.index_cast %get3A_556 : i32 to index
      %get3A_559 = arith.constant 112 : index
      %get3A_560 = tpu.vector_load %arg7[%get3A_557, %get3A_558, %get3A_559] {strides = array<i32>} : memref<4x2x128xi32, #tpu.memory_space<vmem>>, vector<16xi32>,
      %gather3A_561 = tpu.vector_load_idx %arg8[%get3A_560] : memref<10240xf32, #tpu.memory_space<vmem>>[vector<16xi32>], vector<16xf32>,
      %swap3A_562 = arith.constant 112 : index
      %swap3A_563 = tpu.vector_load %arg9[%swap3A_562] {strides = array<i32>} : memref<128xf32, #tpu.memory_space<vmem>>, vector<16xf32>,
      tpu.vector_store %arg9[%swap3A_562], %gather3A_561 {strides = array<i32>} : memref<128xf32, #tpu.memory_space<vmem>>, vector<16xf32>,
      %dma_wait3A_564 = arith.constant 2 : i32
      %dma_wait3A_565 = arith.constant 0 : i32
      %dma_wait3A_566 = arith.constant 0 : i32
      %dma_wait3A_567 = tpu.memref_slice %arg7[%dma_wait3A_564, %dma_wait3A_565, %dma_wait3A_566] : memref<4x2x128xi32, #tpu.memory_space<vmem>> -> memref<1x1x128xi32, #tpu.memory_space<vmem>>
      %dma_wait3A_568 = tpu.memref_squeeze %dma_wait3A_567 : memref<1x1x128xi32, #tpu.memory_space<vmem>> -> memref<128xi32, #tpu.memory_space<vmem>>
      %dma_wait3A_569 = arith.constant 0 : i32
      %dma_wait3A_570 = arith.constant 0 : i32
      %dma_wait3A_571 = tpu.memref_slice %arg3[%dma_wait3A_569, %dma_wait3A_570] : memref<10240x128xf32, #tpu.memory_space<hbm>> -> memref<10240x128xf32, #tpu.memory_space<hbm>>
      tpu.wait_indirect_dma semaphore(%arg19 : memref<!tpu.dma_semaphore, #tpu.memory_space<semaphore_mem>>) src(%dma_wait3A_571 : memref<10240x128xf32, #tpu.memory_space<hbm>>) dst(%arg11 : memref<128x128xf32, #tpu.memory_space<vmem>>)
      %dma_start3A_572 = arith.constant 2 : i32
      %dma_start3A_573 = arith.constant 1 : i32
      %dma_start3A_574 = arith.constant 0 : i32
      %dma_start3A_575 = tpu.memref_slice %arg7[%dma_start3A_572, %dma_start3A_573, %dma_start3A_574] : memref<4x2x128xi32, #tpu.memory_space<vmem>> -> memref<1x1x128xi32, #tpu.memory_space<vmem>>
      %dma_start3A_576 = tpu.memref_squeeze %dma_start3A_575 : memref<1x1x128xi32, #tpu.memory_space<vmem>> -> memref<128xi32, #tpu.memory_space<vmem>>
      %dma_start3A_577 = arith.constant 0 : i32
      %dma_start3A_578 = arith.constant 0 : i32
      %dma_start3A_579 = tpu.memref_slice %arg13[%dma_start3A_577, %dma_start3A_578] : memref<10240x128xf32, #tpu.memory_space<vmem_shared>> -> memref<10240x128xf32, #tpu.memory_space<vmem_shared>>
      tpu.enqueue_indirect_dma source(%arg11 : memref<128x128xf32, #tpu.memory_space<vmem>>) target(%dma_start3A_579 : memref<10240x128xf32, #tpu.memory_space<vmem_shared>>) offsets(%dma_start3A_576 : memref<128xi32, #tpu.memory_space<vmem>>) semaphore(%arg21 : memref<!tpu.dma_semaphore, #tpu.memory_space<semaphore_mem>>) {add = true}
      %dma_start3A_580 = arith.constant 2 : i32
      %dma_start3A_581 = arith.constant 0 : i32
      %dma_start3A_582 = arith.constant 0 : i32
      %dma_start3A_583 = tpu.memref_slice %arg7[%dma_start3A_580, %dma_start3A_581, %dma_start3A_582] : memref<4x2x128xi32, #tpu.memory_space<vmem>> -> memref<1x1x128xi32, #tpu.memory_space<vmem>>
      %dma_start3A_584 = tpu.memref_squeeze %dma_start3A_583 : memref<1x1x128xi32, #tpu.memory_space<vmem>> -> memref<128xi32, #tpu.memory_space<vmem>>
      %dma_start3A_585 = arith.constant 0 : i32
      %dma_start3A_586 = tpu.memref_slice %arg14[%dma_start3A_585] : memref<10240xf32, #tpu.memory_space<vmem_shared>> -> memref<10240xf32, #tpu.memory_space<vmem_shared>>
      tpu.enqueue_indirect_dma source(%arg9 : memref<128xf32, #tpu.memory_space<vmem>>) target(%dma_start3A_586 : memref<10240xf32, #tpu.memory_space<vmem_shared>>) offsets(%dma_start3A_584 : memref<128xi32, #tpu.memory_space<vmem>>) semaphore(%arg23 : memref<!tpu.dma_semaphore, #tpu.memory_space<semaphore_mem>>) {add = true}
      %lt3A_587 = arith.constant 19 : i32
      %lt3A_588 = arith.cmpi slt, %scan3A_160, %lt3A_587 : i32
      %convert_element_type3A_589 = arith.extui %lt3A_588 : i1 to i32
      %cond3A_590 = arith.constant 0 : i32
      %cond3A_591 = arith.cmpi ne, %convert_element_type3A_589, %cond3A_590 : i32
      scf.if %cond3A_591 {
        %add3A_702 = arith.constant 4 : i32
        %add3A_703 = arith.addi %mul3A_163, %add3A_702 : i32
        %mul3A_704 = arith.constant 10240 : i32
        %mul3A_705 = arith.muli %add3A, %mul3A_704 : i32
        %mul3A_706 = arith.constant 128 : i32
        %mul3A_707 = arith.muli %add3A_703, %mul3A_706 : i32
        %add3A_708 = arith.addi %mul3A_705, %mul3A_707 : i32
        %dma_wait3A_709 = arith.constant 0 : i32
        %dma_wait3A_710 = arith.constant 0 : i32
        %dma_wait3A_711 = arith.constant 0 : i32
        %dma_wait3A_712 = tpu.memref_slice %arg7[%dma_wait3A_709, %dma_wait3A_710, %dma_wait3A_711] : memref<4x2x128xi32, #tpu.memory_space<vmem>> -> memref<1x2x128xi32, #tpu.memory_space<vmem>>
        %dma_wait3A_713 = tpu.memref_squeeze %dma_wait3A_712 : memref<1x2x128xi32, #tpu.memory_space<vmem>> -> memref<2x128xi32, #tpu.memory_space<vmem>>
        %dma_wait3A_714 = arith.constant 0 : i32
        %dma_wait3A_715 = tpu.memref_slice %arg2[%dma_wait3A_714, %add3A_708] : memref<2x327680xi32, #tpu.memory_space<hbm>> -> memref<2x128xi32, #tpu.memory_space<hbm>>
        %dma_wait3A_716 = arith.constant 0 : i32
        %dma_wait3A_717 = arith.constant 0 : i32
        %dma_wait3A_718 = tpu.memref_slice %arg7[%dma_wait3A_709, %dma_wait3A_716, %dma_wait3A_717] : memref<4x2x128xi32, #tpu.memory_space<vmem>> -> memref<1x2x128xi32, #tpu.memory_space<vmem>>
        %dma_wait3A_719 = tpu.memref_squeeze %dma_wait3A_718 : memref<1x2x128xi32, #tpu.memory_space<vmem>> -> memref<2x128xi32, #tpu.memory_space<vmem>>
        %dma_wait3A_720 = arith.constant 0 : i32
        %dma_wait3A_721 = tpu.memref_slice %arg2[%dma_wait3A_720, %add3A_708] : memref<2x327680xi32, #tpu.memory_space<hbm>> -> memref<2x128xi32, #tpu.memory_space<hbm>>
        tpu.wait_dma2 semaphore(%arg15 : memref<!tpu.dma_semaphore, #tpu.memory_space<semaphore_mem>>) src(%dma_wait3A_721 : memref<2x128xi32, #tpu.memory_space<hbm>>) dst(%dma_wait3A_719 : memref<2x128xi32, #tpu.memory_space<vmem>>)
        %add3A_722 = arith.constant 4 : i32
        %add3A_723 = arith.addi %mul3A_163, %add3A_722 : i32
        %ge3A_724 = arith.constant 2 : i32
        %ge3A_725 = arith.cmpi sge, %add3A_723, %ge3A_724 : i32
        %convert_element_type3A_726 = arith.extui %ge3A_725 : i1 to i32
        %cond3A_727 = arith.constant 0 : i32
        %cond3A_728 = arith.cmpi ne, %convert_element_type3A_726, %cond3A_727 : i32
        scf.if %cond3A_728 {
          %dma_wait3A_737 = arith.constant 2 : i32
          %dma_wait3A_738 = arith.constant 1 : i32
          %dma_wait3A_739 = arith.constant 0 : i32
          %dma_wait3A_740 = tpu.memref_slice %arg7[%dma_wait3A_737, %dma_wait3A_738, %dma_wait3A_739] : memref<4x2x128xi32, #tpu.memory_space<vmem>> -> memref<1x1x128xi32, #tpu.memory_space<vmem>>
          %dma_wait3A_741 = tpu.memref_squeeze %dma_wait3A_740 : memref<1x1x128xi32, #tpu.memory_space<vmem>> -> memref<128xi32, #tpu.memory_space<vmem>>
          %dma_wait3A_742 = arith.constant 0 : i32
          %dma_wait3A_743 = arith.constant 0 : i32
          %dma_wait3A_744 = tpu.memref_slice %arg13[%dma_wait3A_742, %dma_wait3A_743] : memref<10240x128xf32, #tpu.memory_space<vmem_shared>> -> memref<10240x128xf32, #tpu.memory_space<vmem_shared>>
          tpu.wait_indirect_dma semaphore(%arg21 : memref<!tpu.dma_semaphore, #tpu.memory_space<semaphore_mem>>) src(%arg11 : memref<128x128xf32, #tpu.memory_space<vmem>>) dst(%dma_wait3A_744 : memref<10240x128xf32, #tpu.memory_space<vmem_shared>>)
        } else {
        }
        %dma_start3A_729 = arith.constant 0 : i32
        %dma_start3A_730 = arith.constant 0 : i32
        %dma_start3A_731 = arith.constant 0 : i32
        %dma_start3A_732 = tpu.memref_slice %arg7[%dma_start3A_729, %dma_start3A_730, %dma_start3A_731] : memref<4x2x128xi32, #tpu.memory_space<vmem>> -> memref<1x1x128xi32, #tpu.memory_space<vmem>>
        %dma_start3A_733 = tpu.memref_squeeze %dma_start3A_732 : memref<1x1x128xi32, #tpu.memory_space<vmem>> -> memref<128xi32, #tpu.memory_space<vmem>>
        %dma_start3A_734 = arith.constant 0 : i32
        %dma_start3A_735 = arith.constant 0 : i32
        %dma_start3A_736 = tpu.memref_slice %arg3[%dma_start3A_734, %dma_start3A_735] : memref<10240x128xf32, #tpu.memory_space<hbm>> -> memref<10240x128xf32, #tpu.memory_space<hbm>>
        tpu.enqueue_indirect_dma source(%dma_start3A_736 : memref<10240x128xf32, #tpu.memory_space<hbm>>) target(%arg11 : memref<128x128xf32, #tpu.memory_space<vmem>>) offsets(%dma_start3A_733 : memref<128xi32, #tpu.memory_space<vmem>>) semaphore(%arg19 : memref<!tpu.dma_semaphore, #tpu.memory_space<semaphore_mem>>)
      } else {
      }
      %add3A_592 = arith.constant 3 : i32
      %add3A_593 = arith.addi %mul3A_163, %add3A_592 : i32
      %ge3A_594 = arith.constant 2 : i32
      %ge3A_595 = arith.cmpi sge, %add3A_593, %ge3A_594 : i32
      %convert_element_type3A_596 = arith.extui %ge3A_595 : i1 to i32
      %cond3A_597 = arith.constant 0 : i32
      %cond3A_598 = arith.cmpi ne, %convert_element_type3A_596, %cond3A_597 : i32
      scf.if %cond3A_598 {
        %dma_wait3A_702 = arith.constant 1 : i32
        %dma_wait3A_703 = arith.constant 0 : i32
        %dma_wait3A_704 = arith.constant 0 : i32
        %dma_wait3A_705 = tpu.memref_slice %arg7[%dma_wait3A_702, %dma_wait3A_703, %dma_wait3A_704] : memref<4x2x128xi32, #tpu.memory_space<vmem>> -> memref<1x1x128xi32, #tpu.memory_space<vmem>>
        %dma_wait3A_706 = tpu.memref_squeeze %dma_wait3A_705 : memref<1x1x128xi32, #tpu.memory_space<vmem>> -> memref<128xi32, #tpu.memory_space<vmem>>
        %dma_wait3A_707 = arith.constant 0 : i32
        %dma_wait3A_708 = tpu.memref_slice %arg14[%dma_wait3A_707] : memref<10240xf32, #tpu.memory_space<vmem_shared>> -> memref<10240xf32, #tpu.memory_space<vmem_shared>>
        tpu.wait_indirect_dma semaphore(%arg24 : memref<!tpu.dma_semaphore, #tpu.memory_space<semaphore_mem>>) src(%arg10 : memref<128xf32, #tpu.memory_space<vmem>>) dst(%dma_wait3A_708 : memref<10240xf32, #tpu.memory_space<vmem_shared>>)
      } else {
      }
      %add3A_599 = arith.constant 2 : i32
      %add3A_600 = arith.addi %add3A_593, %add3A_599 : i32
      %lt3A_601 = arith.constant 80 : i32
      %lt3A_602 = arith.cmpi slt, %add3A_600, %lt3A_601 : i32
      %convert_element_type3A_603 = arith.extui %lt3A_602 : i1 to i32
      %cond3A_604 = arith.constant 0 : i32
      %cond3A_605 = arith.cmpi ne, %convert_element_type3A_603, %cond3A_604 : i32
      scf.if %cond3A_605 {
        %add3A_702 = arith.constant 2 : i32
        %add3A_703 = arith.addi %add3A_593, %add3A_702 : i32
        %mul3A_704 = arith.constant 10240 : i32
        %mul3A_705 = arith.muli %add3A, %mul3A_704 : i32
        %mul3A_706 = arith.constant 128 : i32
        %mul3A_707 = arith.muli %add3A_703, %mul3A_706 : i32
        %add3A_708 = arith.addi %mul3A_705, %mul3A_707 : i32
        %dma_start3A_709 = arith.constant 1 : i32
        %dma_start3A_710 = arith.constant 0 : i32
        %dma_start3A_711 = arith.constant 0 : i32
        %dma_start3A_712 = tpu.memref_slice %arg7[%dma_start3A_709, %dma_start3A_710, %dma_start3A_711] : memref<4x2x128xi32, #tpu.memory_space<vmem>> -> memref<1x2x128xi32, #tpu.memory_space<vmem>>
        %dma_start3A_713 = tpu.memref_squeeze %dma_start3A_712 : memref<1x2x128xi32, #tpu.memory_space<vmem>> -> memref<2x128xi32, #tpu.memory_space<vmem>>
        %dma_start3A_714 = arith.constant 0 : i32
        %dma_start3A_715 = tpu.memref_slice %arg2[%dma_start3A_714, %add3A_708] : memref<2x327680xi32, #tpu.memory_space<hbm>> -> memref<2x128xi32, #tpu.memory_space<hbm>>
        %dma_start3A_716 = arith.constant 0 : i32
        %dma_start3A_717 = arith.constant 0 : i32
        %dma_start3A_718 = tpu.memref_slice %arg7[%dma_start3A_709, %dma_start3A_716, %dma_start3A_717] : memref<4x2x128xi32, #tpu.memory_space<vmem>> -> memref<1x2x128xi32, #tpu.memory_space<vmem>>
        %dma_start3A_719 = tpu.memref_squeeze %dma_start3A_718 : memref<1x2x128xi32, #tpu.memory_space<vmem>> -> memref<2x128xi32, #tpu.memory_space<vmem>>
        %dma_start3A_720 = arith.constant 0 : i32
        %dma_start3A_721 = tpu.memref_slice %arg2[%dma_start3A_720, %add3A_708] : memref<2x327680xi32, #tpu.memory_space<hbm>> -> memref<2x128xi32, #tpu.memory_space<hbm>>
        tpu.enqueue_dma source(%dma_start3A_721 : memref<2x128xi32, #tpu.memory_space<hbm>>) target(%dma_start3A_719 : memref<2x128xi32, #tpu.memory_space<vmem>>) target_semaphore(%arg16 : memref<!tpu.dma_semaphore, #tpu.memory_space<semaphore_mem>>)
      } else {
      }
      %get3A_606 = arith.constant 3 : i32
      %get3A_607 = arith.constant 1 : i32
      %get3A_608 = arith.index_cast %get3A_606 : i32 to index
      %get3A_609 = arith.index_cast %get3A_607 : i32 to index
      %get3A_610 = arith.constant 0 : index
      %get3A_611 = tpu.vector_load %arg7[%get3A_608, %get3A_609, %get3A_610] {strides = array<i32>} : memref<4x2x128xi32, #tpu.memory_space<vmem>>, vector<16xi32>,
      %gather3A_612 = tpu.vector_load_idx %arg8[%get3A_611] : memref<10240xf32, #tpu.memory_space<vmem>>[vector<16xi32>], vector<16xf32>,
      %swap3A_613 = arith.constant 0 : index
      %swap3A_614 = tpu.vector_load %arg10[%swap3A_613] {strides = array<i32>} : memref<128xf32, #tpu.memory_space<vmem>>, vector<16xf32>,
      tpu.vector_store %arg10[%swap3A_613], %gather3A_612 {strides = array<i32>} : memref<128xf32, #tpu.memory_space<vmem>>, vector<16xf32>,
      %get3A_615 = arith.constant 3 : i32
      %get3A_616 = arith.constant 1 : i32
      %get3A_617 = arith.index_cast %get3A_615 : i32 to index
      %get3A_618 = arith.index_cast %get3A_616 : i32 to index
      %get3A_619 = arith.constant 16 : index
      %get3A_620 = tpu.vector_load %arg7[%get3A_617, %get3A_618, %get3A_619] {strides = array<i32>} : memref<4x2x128xi32, #tpu.memory_space<vmem>>, vector<16xi32>,
      %gather3A_621 = tpu.vector_load_idx %arg8[%get3A_620] : memref<10240xf32, #tpu.memory_space<vmem>>[vector<16xi32>], vector<16xf32>,
      %swap3A_622 = arith.constant 16 : index
      %swap3A_623 = tpu.vector_load %arg10[%swap3A_622] {strides = array<i32>} : memref<128xf32, #tpu.memory_space<vmem>>, vector<16xf32>,
      tpu.vector_store %arg10[%swap3A_622], %gather3A_621 {strides = array<i32>} : memref<128xf32, #tpu.memory_space<vmem>>, vector<16xf32>,
      %get3A_624 = arith.constant 3 : i32
      %get3A_625 = arith.constant 1 : i32
      %get3A_626 = arith.index_cast %get3A_624 : i32 to index
      %get3A_627 = arith.index_cast %get3A_625 : i32 to index
      %get3A_628 = arith.constant 32 : index
      %get3A_629 = tpu.vector_load %arg7[%get3A_626, %get3A_627, %get3A_628] {strides = array<i32>} : memref<4x2x128xi32, #tpu.memory_space<vmem>>, vector<16xi32>,
      %gather3A_630 = tpu.vector_load_idx %arg8[%get3A_629] : memref<10240xf32, #tpu.memory_space<vmem>>[vector<16xi32>], vector<16xf32>,
      %swap3A_631 = arith.constant 32 : index
      %swap3A_632 = tpu.vector_load %arg10[%swap3A_631] {strides = array<i32>} : memref<128xf32, #tpu.memory_space<vmem>>, vector<16xf32>,
      tpu.vector_store %arg10[%swap3A_631], %gather3A_630 {strides = array<i32>} : memref<128xf32, #tpu.memory_space<vmem>>, vector<16xf32>,
      %get3A_633 = arith.constant 3 : i32
      %get3A_634 = arith.constant 1 : i32
      %get3A_635 = arith.index_cast %get3A_633 : i32 to index
      %get3A_636 = arith.index_cast %get3A_634 : i32 to index
      %get3A_637 = arith.constant 48 : index
      %get3A_638 = tpu.vector_load %arg7[%get3A_635, %get3A_636, %get3A_637] {strides = array<i32>} : memref<4x2x128xi32, #tpu.memory_space<vmem>>, vector<16xi32>,
      %gather3A_639 = tpu.vector_load_idx %arg8[%get3A_638] : memref<10240xf32, #tpu.memory_space<vmem>>[vector<16xi32>], vector<16xf32>,
      %swap3A_640 = arith.constant 48 : index
      %swap3A_641 = tpu.vector_load %arg10[%swap3A_640] {strides = array<i32>} : memref<128xf32, #tpu.memory_space<vmem>>, vector<16xf32>,
      tpu.vector_store %arg10[%swap3A_640], %gather3A_639 {strides = array<i32>} : memref<128xf32, #tpu.memory_space<vmem>>, vector<16xf32>,
      %get3A_642 = arith.constant 3 : i32
      %get3A_643 = arith.constant 1 : i32
      %get3A_644 = arith.index_cast %get3A_642 : i32 to index
      %get3A_645 = arith.index_cast %get3A_643 : i32 to index
      %get3A_646 = arith.constant 64 : index
      %get3A_647 = tpu.vector_load %arg7[%get3A_644, %get3A_645, %get3A_646] {strides = array<i32>} : memref<4x2x128xi32, #tpu.memory_space<vmem>>, vector<16xi32>,
      %gather3A_648 = tpu.vector_load_idx %arg8[%get3A_647] : memref<10240xf32, #tpu.memory_space<vmem>>[vector<16xi32>], vector<16xf32>,
      %swap3A_649 = arith.constant 64 : index
      %swap3A_650 = tpu.vector_load %arg10[%swap3A_649] {strides = array<i32>} : memref<128xf32, #tpu.memory_space<vmem>>, vector<16xf32>,
      tpu.vector_store %arg10[%swap3A_649], %gather3A_648 {strides = array<i32>} : memref<128xf32, #tpu.memory_space<vmem>>, vector<16xf32>,
      %get3A_651 = arith.constant 3 : i32
      %get3A_652 = arith.constant 1 : i32
      %get3A_653 = arith.index_cast %get3A_651 : i32 to index
      %get3A_654 = arith.index_cast %get3A_652 : i32 to index
      %get3A_655 = arith.constant 80 : index
      %get3A_656 = tpu.vector_load %arg7[%get3A_653, %get3A_654, %get3A_655] {strides = array<i32>} : memref<4x2x128xi32, #tpu.memory_space<vmem>>, vector<16xi32>,
      %gather3A_657 = tpu.vector_load_idx %arg8[%get3A_656] : memref<10240xf32, #tpu.memory_space<vmem>>[vector<16xi32>], vector<16xf32>,
      %swap3A_658 = arith.constant 80 : index
      %swap3A_659 = tpu.vector_load %arg10[%swap3A_658] {strides = array<i32>} : memref<128xf32, #tpu.memory_space<vmem>>, vector<16xf32>,
      tpu.vector_store %arg10[%swap3A_658], %gather3A_657 {strides = array<i32>} : memref<128xf32, #tpu.memory_space<vmem>>, vector<16xf32>,
      %get3A_660 = arith.constant 3 : i32
      %get3A_661 = arith.constant 1 : i32
      %get3A_662 = arith.index_cast %get3A_660 : i32 to index
      %get3A_663 = arith.index_cast %get3A_661 : i32 to index
      %get3A_664 = arith.constant 96 : index
      %get3A_665 = tpu.vector_load %arg7[%get3A_662, %get3A_663, %get3A_664] {strides = array<i32>} : memref<4x2x128xi32, #tpu.memory_space<vmem>>, vector<16xi32>,
      %gather3A_666 = tpu.vector_load_idx %arg8[%get3A_665] : memref<10240xf32, #tpu.memory_space<vmem>>[vector<16xi32>], vector<16xf32>,
      %swap3A_667 = arith.constant 96 : index
      %swap3A_668 = tpu.vector_load %arg10[%swap3A_667] {strides = array<i32>} : memref<128xf32, #tpu.memory_space<vmem>>, vector<16xf32>,
      tpu.vector_store %arg10[%swap3A_667], %gather3A_666 {strides = array<i32>} : memref<128xf32, #tpu.memory_space<vmem>>, vector<16xf32>,
      %get3A_669 = arith.constant 3 : i32
      %get3A_670 = arith.constant 1 : i32
      %get3A_671 = arith.index_cast %get3A_669 : i32 to index
      %get3A_672 = arith.index_cast %get3A_670 : i32 to index
      %get3A_673 = arith.constant 112 : index
      %get3A_674 = tpu.vector_load %arg7[%get3A_671, %get3A_672, %get3A_673] {strides = array<i32>} : memref<4x2x128xi32, #tpu.memory_space<vmem>>, vector<16xi32>,
      %gather3A_675 = tpu.vector_load_idx %arg8[%get3A_674] : memref<10240xf32, #tpu.memory_space<vmem>>[vector<16xi32>], vector<16xf32>,
      %swap3A_676 = arith.constant 112 : index
      %swap3A_677 = tpu.vector_load %arg10[%swap3A_676] {strides = array<i32>} : memref<128xf32, #tpu.memory_space<vmem>>, vector<16xf32>,
      tpu.vector_store %arg10[%swap3A_676], %gather3A_675 {strides = array<i32>} : memref<128xf32, #tpu.memory_space<vmem>>, vector<16xf32>,
      %dma_wait3A_678 = arith.constant 3 : i32
      %dma_wait3A_679 = arith.constant 0 : i32
      %dma_wait3A_680 = arith.constant 0 : i32
      %dma_wait3A_681 = tpu.memref_slice %arg7[%dma_wait3A_678, %dma_wait3A_679, %dma_wait3A_680] : memref<4x2x128xi32, #tpu.memory_space<vmem>> -> memref<1x1x128xi32, #tpu.memory_space<vmem>>
      %dma_wait3A_682 = tpu.memref_squeeze %dma_wait3A_681 : memref<1x1x128xi32, #tpu.memory_space<vmem>> -> memref<128xi32, #tpu.memory_space<vmem>>
      %dma_wait3A_683 = arith.constant 0 : i32
      %dma_wait3A_684 = arith.constant 0 : i32
      %dma_wait3A_685 = tpu.memref_slice %arg3[%dma_wait3A_683, %dma_wait3A_684] : memref<10240x128xf32, #tpu.memory_space<hbm>> -> memref<10240x128xf32, #tpu.memory_space<hbm>>
      tpu.wait_indirect_dma semaphore(%arg20 : memref<!tpu.dma_semaphore, #tpu.memory_space<semaphore_mem>>) src(%dma_wait3A_685 : memref<10240x128xf32, #tpu.memory_space<hbm>>) dst(%arg12 : memref<128x128xf32, #tpu.memory_space<vmem>>)
      %dma_start3A_686 = arith.constant 3 : i32
      %dma_start3A_687 = arith.constant 1 : i32
      %dma_start3A_688 = arith.constant 0 : i32
      %dma_start3A_689 = tpu.memref_slice %arg7[%dma_start3A_686, %dma_start3A_687, %dma_start3A_688] : memref<4x2x128xi32, #tpu.memory_space<vmem>> -> memref<1x1x128xi32, #tpu.memory_space<vmem>>
      %dma_start3A_690 = tpu.memref_squeeze %dma_start3A_689 : memref<1x1x128xi32, #tpu.memory_space<vmem>> -> memref<128xi32, #tpu.memory_space<vmem>>
      %dma_start3A_691 = arith.constant 0 : i32
      %dma_start3A_692 = arith.constant 0 : i32
      %dma_start3A_693 = tpu.memref_slice %arg13[%dma_start3A_691, %dma_start3A_692] : memref<10240x128xf32, #tpu.memory_space<vmem_shared>> -> memref<10240x128xf32, #tpu.memory_space<vmem_shared>>
      tpu.enqueue_indirect_dma source(%arg12 : memref<128x128xf32, #tpu.memory_space<vmem>>) target(%dma_start3A_693 : memref<10240x128xf32, #tpu.memory_space<vmem_shared>>) offsets(%dma_start3A_690 : memref<128xi32, #tpu.memory_space<vmem>>) semaphore(%arg22 : memref<!tpu.dma_semaphore, #tpu.memory_space<semaphore_mem>>) {add = true}
      %dma_start3A_694 = arith.constant 3 : i32
      %dma_start3A_695 = arith.constant 0 : i32
      %dma_start3A_696 = arith.constant 0 : i32
      %dma_start3A_697 = tpu.memref_slice %arg7[%dma_start3A_694, %dma_start3A_695, %dma_start3A_696] : memref<4x2x128xi32, #tpu.memory_space<vmem>> -> memref<1x1x128xi32, #tpu.memory_space<vmem>>
      %dma_start3A_698 = tpu.memref_squeeze %dma_start3A_697 : memref<1x1x128xi32, #tpu.memory_space<vmem>> -> memref<128xi32, #tpu.memory_space<vmem>>
      %dma_start3A_699 = arith.constant 0 : i32
      %dma_start3A_700 = tpu.memref_slice %arg14[%dma_start3A_699] : memref<10240xf32, #tpu.memory_space<vmem_shared>> -> memref<10240xf32, #tpu.memory_space<vmem_shared>>
      tpu.enqueue_indirect_dma source(%arg10 : memref<128xf32, #tpu.memory_space<vmem>>) target(%dma_start3A_700 : memref<10240xf32, #tpu.memory_space<vmem_shared>>) offsets(%dma_start3A_698 : memref<128xi32, #tpu.memory_space<vmem>>) semaphore(%arg24 : memref<!tpu.dma_semaphore, #tpu.memory_space<semaphore_mem>>) {add = true}
      %scan3A_701 = arith.constant 0 : i32
      scf.yield %scan3A_701 : i32
    }
    %scan3A_120 = arith.constant 20 : i32
    %dma_wait3A_121 = arith.constant 2 : i32
    %dma_wait3A_122 = arith.constant 1 : i32
    %dma_wait3A_123 = arith.constant 0 : i32
    %dma_wait3A_124 = tpu.memref_slice %arg7[%dma_wait3A_121, %dma_wait3A_122, %dma_wait3A_123] : memref<4x2x128xi32, #tpu.memory_space<vmem>> -> memref<1x1x128xi32, #tpu.memory_space<vmem>>
    %dma_wait3A_125 = tpu.memref_squeeze %dma_wait3A_124 : memref<1x1x128xi32, #tpu.memory_space<vmem>> -> memref<128xi32, #tpu.memory_space<vmem>>
    %dma_wait3A_126 = arith.constant 0 : i32
    %dma_wait3A_127 = arith.constant 0 : i32
    %dma_wait3A_128 = tpu.memref_slice %arg13[%dma_wait3A_126, %dma_wait3A_127] : memref<10240x128xf32, #tpu.memory_space<vmem_shared>> -> memref<10240x128xf32, #tpu.memory_space<vmem_shared>>
    tpu.wait_indirect_dma semaphore(%arg21 : memref<!tpu.dma_semaphore, #tpu.memory_space<semaphore_mem>>) src(%arg11 : memref<128x128xf32, #tpu.memory_space<vmem>>) dst(%dma_wait3A_128 : memref<10240x128xf32, #tpu.memory_space<vmem_shared>>)
    %dma_wait3A_129 = arith.constant 3 : i32
    %dma_wait3A_130 = arith.constant 1 : i32
    %dma_wait3A_131 = arith.constant 0 : i32
    %dma_wait3A_132 = tpu.memref_slice %arg7[%dma_wait3A_129, %dma_wait3A_130, %dma_wait3A_131] : memref<4x2x128xi32, #tpu.memory_space<vmem>> -> memref<1x1x128xi32, #tpu.memory_space<vmem>>
    %dma_wait3A_133 = tpu.memref_squeeze %dma_wait3A_132 : memref<1x1x128xi32, #tpu.memory_space<vmem>> -> memref<128xi32, #tpu.memory_space<vmem>>
    %dma_wait3A_134 = arith.constant 0 : i32
    %dma_wait3A_135 = arith.constant 0 : i32
    %dma_wait3A_136 = tpu.memref_slice %arg13[%dma_wait3A_134, %dma_wait3A_135] : memref<10240x128xf32, #tpu.memory_space<vmem_shared>> -> memref<10240x128xf32, #tpu.memory_space<vmem_shared>>
    tpu.wait_indirect_dma semaphore(%arg22 : memref<!tpu.dma_semaphore, #tpu.memory_space<semaphore_mem>>) src(%arg12 : memref<128x128xf32, #tpu.memory_space<vmem>>) dst(%dma_wait3A_136 : memref<10240x128xf32, #tpu.memory_space<vmem_shared>>)
    %dma_wait3A_137 = arith.constant 2 : i32
    %dma_wait3A_138 = arith.constant 0 : i32
    %dma_wait3A_139 = arith.constant 0 : i32
    %dma_wait3A_140 = tpu.memref_slice %arg7[%dma_wait3A_137, %dma_wait3A_138, %dma_wait3A_139] : memref<4x2x128xi32, #tpu.memory_space<vmem>> -> memref<1x1x128xi32, #tpu.memory_space<vmem>>
    %dma_wait3A_141 = tpu.memref_squeeze %dma_wait3A_140 : memref<1x1x128xi32, #tpu.memory_space<vmem>> -> memref<128xi32, #tpu.memory_space<vmem>>
    %dma_wait3A_142 = arith.constant 0 : i32
    %dma_wait3A_143 = tpu.memref_slice %arg14[%dma_wait3A_142] : memref<10240xf32, #tpu.memory_space<vmem_shared>> -> memref<10240xf32, #tpu.memory_space<vmem_shared>>
    tpu.wait_indirect_dma semaphore(%arg23 : memref<!tpu.dma_semaphore, #tpu.memory_space<semaphore_mem>>) src(%arg9 : memref<128xf32, #tpu.memory_space<vmem>>) dst(%dma_wait3A_143 : memref<10240xf32, #tpu.memory_space<vmem_shared>>)
    %dma_wait3A_144 = arith.constant 3 : i32
    %dma_wait3A_145 = arith.constant 0 : i32
    %dma_wait3A_146 = arith.constant 0 : i32
    %dma_wait3A_147 = tpu.memref_slice %arg7[%dma_wait3A_144, %dma_wait3A_145, %dma_wait3A_146] : memref<4x2x128xi32, #tpu.memory_space<vmem>> -> memref<1x1x128xi32, #tpu.memory_space<vmem>>
    %dma_wait3A_148 = tpu.memref_squeeze %dma_wait3A_147 : memref<1x1x128xi32, #tpu.memory_space<vmem>> -> memref<128xi32, #tpu.memory_space<vmem>>
    %dma_wait3A_149 = arith.constant 0 : i32
    %dma_wait3A_150 = tpu.memref_slice %arg14[%dma_wait3A_149] : memref<10240xf32, #tpu.memory_space<vmem_shared>> -> memref<10240xf32, #tpu.memory_space<vmem_shared>>
    tpu.wait_indirect_dma semaphore(%arg24 : memref<!tpu.dma_semaphore, #tpu.memory_space<semaphore_mem>>) src(%arg10 : memref<128xf32, #tpu.memory_space<vmem>>) dst(%dma_wait3A_150 : memref<10240xf32, #tpu.memory_space<vmem_shared>>)
    %barrier3A_151 = arith.constant 0 : index
    tpu.barrier barrier_id(%barrier3A_151)
    %mul3A_152 = arith.constant 640 : i32
    %mul3A_153 = arith.muli %arg1, %mul3A_152 : i32
    %mul3A_154 = arith.constant 640 : i32
    %mul3A_155 = arith.muli %arg1, %mul3A_154 : i32
    "tpu.region"() ({
      %run_scoped3A = tpu.sem_alloc : memref<!tpu.dma_semaphore, #tpu.memory_space<semaphore_mem>>
      %dma_start3A_160 = arith.constant 0 : i32
      %dma_start3A_161 = tpu.memref_slice %arg5[%arg0, %mul3A_155, %dma_start3A_160] : memref<2x10240x128xf32, #tpu.memory_space<hbm>> -> memref<1x640x128xf32, #tpu.memory_space<hbm>>
      %dma_start3A_162 = tpu.memref_squeeze %dma_start3A_161 : memref<1x640x128xf32, #tpu.memory_space<hbm>> -> memref<640x128xf32, #tpu.memory_space<hbm>>
      %dma_start3A_163 = arith.constant 0 : i32
      %dma_start3A_164 = tpu.memref_slice %arg13[%mul3A_153, %dma_start3A_163] : memref<10240x128xf32, #tpu.memory_space<vmem_shared>> -> memref<640x128xf32, #tpu.memory_space<vmem_shared>>
      tpu.enqueue_dma source(%dma_start3A_164 : memref<640x128xf32, #tpu.memory_space<vmem_shared>>) target(%dma_start3A_162 : memref<640x128xf32, #tpu.memory_space<hbm>>) target_semaphore(%run_scoped3A : memref<!tpu.dma_semaphore, #tpu.memory_space<semaphore_mem>>)
      %dma_wait3A_165 = arith.constant 0 : i32
      %dma_wait3A_166 = tpu.memref_slice %arg5[%arg0, %mul3A_155, %dma_wait3A_165] : memref<2x10240x128xf32, #tpu.memory_space<hbm>> -> memref<1x640x128xf32, #tpu.memory_space<hbm>>
      %dma_wait3A_167 = tpu.memref_squeeze %dma_wait3A_166 : memref<1x640x128xf32, #tpu.memory_space<hbm>> -> memref<640x128xf32, #tpu.memory_space<hbm>>
      %dma_wait3A_168 = arith.constant 0 : i32
      %dma_wait3A_169 = tpu.memref_slice %arg13[%mul3A_153, %dma_wait3A_168] : memref<10240x128xf32, #tpu.memory_space<vmem_shared>> -> memref<640x128xf32, #tpu.memory_space<vmem_shared>>
      tpu.wait_dma2 semaphore(%run_scoped3A : memref<!tpu.dma_semaphore, #tpu.memory_space<semaphore_mem>>) src(%dma_wait3A_169 : memref<640x128xf32, #tpu.memory_space<vmem_shared>>) dst(%dma_wait3A_167 : memref<640x128xf32, #tpu.memory_space<hbm>>)
      tpu.yield
    }) : () -> ()
    %mul3A_156 = arith.constant 640 : i32
    %mul3A_157 = arith.muli %arg1, %mul3A_156 : i32
    %mul3A_158 = arith.constant 640 : i32
    %mul3A_159 = arith.muli %arg1, %mul3A_158 : i32
    "tpu.region"() ({
      %run_scoped3A = tpu.sem_alloc : memref<!tpu.dma_semaphore, #tpu.memory_space<semaphore_mem>>
      %dma_start3A_160 = tpu.memref_slice %arg6[%arg0, %mul3A_159] : memref<2x10240xf32, #tpu.memory_space<hbm>> -> memref<1x640xf32, #tpu.memory_space<hbm>>
      %dma_start3A_161 = tpu.memref_squeeze %dma_start3A_160 : memref<1x640xf32, #tpu.memory_space<hbm>> -> memref<640xf32, #tpu.memory_space<hbm>>
      %dma_start3A_162 = tpu.memref_slice %arg14[%mul3A_157] : memref<10240xf32, #tpu.memory_space<vmem_shared>> -> memref<640xf32, #tpu.memory_space<vmem_shared>>
      tpu.enqueue_dma source(%dma_start3A_162 : memref<640xf32, #tpu.memory_space<vmem_shared>>) target(%dma_start3A_161 : memref<640xf32, #tpu.memory_space<hbm>>) target_semaphore(%run_scoped3A : memref<!tpu.dma_semaphore, #tpu.memory_space<semaphore_mem>>)
      %dma_wait3A_163 = tpu.memref_slice %arg6[%arg0, %mul3A_159] : memref<2x10240xf32, #tpu.memory_space<hbm>> -> memref<1x640xf32, #tpu.memory_space<hbm>>
      %dma_wait3A_164 = tpu.memref_squeeze %dma_wait3A_163 : memref<1x640xf32, #tpu.memory_space<hbm>> -> memref<640xf32, #tpu.memory_space<hbm>>
      %dma_wait3A_165 = tpu.memref_slice %arg14[%mul3A_157] : memref<10240xf32, #tpu.memory_space<vmem_shared>> -> memref<640xf32, #tpu.memory_space<vmem_shared>>
      tpu.wait_dma2 semaphore(%run_scoped3A : memref<!tpu.dma_semaphore, #tpu.memory_space<semaphore_mem>>) src(%dma_wait3A_165 : memref<640xf32, #tpu.memory_space<vmem_shared>>) dst(%dma_wait3A_164 : memref<640xf32, #tpu.memory_space<hbm>>)
      tpu.yield
    }) : () -> ()
    return
  }
}

#map = affine_map<(d0, d1) -> (0, 0)>
#map1 = affine_map<(d0, d1) -> (0, 0, 0)>
module attributes {stable_mosaic.version = 14 : i64} {
  func.func @_deg_kernel(%arg0: i32, %arg1: i32, %arg2: memref<2x327680xi32, #tpu.memory_space<hbm>>, %arg3: memref<2x80x128xf32, #tpu.memory_space<hbm>>, %arg4: memref<10240xi32, #tpu.memory_space<vmem>>, %arg5: memref<80x128xf32, #tpu.memory_space<vmem>>, %arg6: memref<80xi32, #tpu.memory_space<vmem>>, %arg7: memref<80x128xf32, #tpu.memory_space<vmem_shared>>) attributes {dimension_semantics = [#tpu.dimension_semantics<core_parallel>, #tpu.dimension_semantics<subcore_parallel>], iteration_bounds = array<i64: 2, 16>, scalar_prefetch = 0 : i64, scratch_operands = 4 : i64, tpu.core_type = #tpu.core_type<sc_vector_subcore>, window_params = [{transform_indices = #map}, {transform_indices = #map1}]} {
    %mul3A = arith.constant 2 : i32
    %mul3A_0 = arith.muli %arg1, %mul3A : i32
    %add3A = arith.addi %mul3A_0, %arg0 : i32
    %mul3A_1 = arith.constant 10240 : i32
    %mul3A_2 = arith.muli %add3A, %mul3A_1 : i32
    %run_scoped3A = arith.constant 1 : i32
    "tpu.region"() ({
      %run_scoped3A_51 = tpu.sem_alloc : memref<!tpu.dma_semaphore, #tpu.memory_space<semaphore_mem>>
      %dma_start3A = tpu.memref_slice %arg2[%run_scoped3A, %mul3A_2] : memref<2x327680xi32, #tpu.memory_space<hbm>> -> memref<1x10240xi32, #tpu.memory_space<hbm>>
      %dma_start3A_52 = tpu.memref_squeeze %dma_start3A : memref<1x10240xi32, #tpu.memory_space<hbm>> -> memref<10240xi32, #tpu.memory_space<hbm>>
      %dma_start3A_53 = tpu.memref_slice %arg2[%run_scoped3A, %mul3A_2] : memref<2x327680xi32, #tpu.memory_space<hbm>> -> memref<1x10240xi32, #tpu.memory_space<hbm>>
      %dma_start3A_54 = tpu.memref_squeeze %dma_start3A_53 : memref<1x10240xi32, #tpu.memory_space<hbm>> -> memref<10240xi32, #tpu.memory_space<hbm>>
      tpu.enqueue_dma source(%dma_start3A_54 : memref<10240xi32, #tpu.memory_space<hbm>>) target(%arg4 : memref<10240xi32, #tpu.memory_space<vmem>>) target_semaphore(%run_scoped3A_51 : memref<!tpu.dma_semaphore, #tpu.memory_space<semaphore_mem>>)
      %dma_wait3A = tpu.memref_slice %arg2[%run_scoped3A, %mul3A_2] : memref<2x327680xi32, #tpu.memory_space<hbm>> -> memref<1x10240xi32, #tpu.memory_space<hbm>>
      %dma_wait3A_55 = tpu.memref_squeeze %dma_wait3A : memref<1x10240xi32, #tpu.memory_space<hbm>> -> memref<10240xi32, #tpu.memory_space<hbm>>
      %dma_wait3A_56 = tpu.memref_slice %arg2[%run_scoped3A, %mul3A_2] : memref<2x327680xi32, #tpu.memory_space<hbm>> -> memref<1x10240xi32, #tpu.memory_space<hbm>>
      %dma_wait3A_57 = tpu.memref_squeeze %dma_wait3A_56 : memref<1x10240xi32, #tpu.memory_space<hbm>> -> memref<10240xi32, #tpu.memory_space<hbm>>
      tpu.wait_dma2 semaphore(%run_scoped3A_51 : memref<!tpu.dma_semaphore, #tpu.memory_space<semaphore_mem>>) src(%dma_wait3A_57 : memref<10240xi32, #tpu.memory_space<hbm>>) dst(%arg4 : memref<10240xi32, #tpu.memory_space<vmem>>)
      tpu.yield
    }) : () -> ()
    %broadcast_in_dim3A = arith.constant 0.000000e+00 : f32
    %broadcast_in_dim3A_3 = vector.broadcast %broadcast_in_dim3A : f32 to vector<16xf32>
    %scan3A = arith.constant 0 : i32
    %scan3A_4 = arith.constant 0 : i32
    %scan3A_5 = arith.constant 80 : i32
    %scan3A_6 = arith.addi %scan3A_4, %scan3A_5 : i32
    %scan3A_7 = arith.constant 1 : i32
    %scan3A_8 = scf.for %scan3A_51 = %scan3A_4 to %scan3A_6 step %scan3A_7 iter_args(%scan3A_52 = %scan3A) -> (i32)  : i32 {
      %swap3A_53 = arith.index_cast %scan3A_51 : i32 to index
      %swap3A_54 = arith.constant 0 : index
      %swap3A_55 = tpu.vector_load %arg5[%swap3A_53, %swap3A_54] {strides = array<i32>} : memref<80x128xf32, #tpu.memory_space<vmem>>, vector<16xf32>,
      tpu.vector_store %arg5[%swap3A_53, %swap3A_54], %broadcast_in_dim3A_3 {strides = array<i32>} : memref<80x128xf32, #tpu.memory_space<vmem>>, vector<16xf32>,
      %swap3A_56 = arith.index_cast %scan3A_51 : i32 to index
      %swap3A_57 = arith.constant 16 : index
      %swap3A_58 = tpu.vector_load %arg5[%swap3A_56, %swap3A_57] {strides = array<i32>} : memref<80x128xf32, #tpu.memory_space<vmem>>, vector<16xf32>,
      tpu.vector_store %arg5[%swap3A_56, %swap3A_57], %broadcast_in_dim3A_3 {strides = array<i32>} : memref<80x128xf32, #tpu.memory_space<vmem>>, vector<16xf32>,
      %swap3A_59 = arith.index_cast %scan3A_51 : i32 to index
      %swap3A_60 = arith.constant 32 : index
      %swap3A_61 = tpu.vector_load %arg5[%swap3A_59, %swap3A_60] {strides = array<i32>} : memref<80x128xf32, #tpu.memory_space<vmem>>, vector<16xf32>,
      tpu.vector_store %arg5[%swap3A_59, %swap3A_60], %broadcast_in_dim3A_3 {strides = array<i32>} : memref<80x128xf32, #tpu.memory_space<vmem>>, vector<16xf32>,
      %swap3A_62 = arith.index_cast %scan3A_51 : i32 to index
      %swap3A_63 = arith.constant 48 : index
      %swap3A_64 = tpu.vector_load %arg5[%swap3A_62, %swap3A_63] {strides = array<i32>} : memref<80x128xf32, #tpu.memory_space<vmem>>, vector<16xf32>,
      tpu.vector_store %arg5[%swap3A_62, %swap3A_63], %broadcast_in_dim3A_3 {strides = array<i32>} : memref<80x128xf32, #tpu.memory_space<vmem>>, vector<16xf32>,
      %swap3A_65 = arith.index_cast %scan3A_51 : i32 to index
      %swap3A_66 = arith.constant 64 : index
      %swap3A_67 = tpu.vector_load %arg5[%swap3A_65, %swap3A_66] {strides = array<i32>} : memref<80x128xf32, #tpu.memory_space<vmem>>, vector<16xf32>,
      tpu.vector_store %arg5[%swap3A_65, %swap3A_66], %broadcast_in_dim3A_3 {strides = array<i32>} : memref<80x128xf32, #tpu.memory_space<vmem>>, vector<16xf32>,
      %swap3A_68 = arith.index_cast %scan3A_51 : i32 to index
      %swap3A_69 = arith.constant 80 : index
      %swap3A_70 = tpu.vector_load %arg5[%swap3A_68, %swap3A_69] {strides = array<i32>} : memref<80x128xf32, #tpu.memory_space<vmem>>, vector<16xf32>,
      tpu.vector_store %arg5[%swap3A_68, %swap3A_69], %broadcast_in_dim3A_3 {strides = array<i32>} : memref<80x128xf32, #tpu.memory_space<vmem>>, vector<16xf32>,
      %swap3A_71 = arith.index_cast %scan3A_51 : i32 to index
      %swap3A_72 = arith.constant 96 : index
      %swap3A_73 = tpu.vector_load %arg5[%swap3A_71, %swap3A_72] {strides = array<i32>} : memref<80x128xf32, #tpu.memory_space<vmem>>, vector<16xf32>,
      tpu.vector_store %arg5[%swap3A_71, %swap3A_72], %broadcast_in_dim3A_3 {strides = array<i32>} : memref<80x128xf32, #tpu.memory_space<vmem>>, vector<16xf32>,
      %swap3A_74 = arith.index_cast %scan3A_51 : i32 to index
      %swap3A_75 = arith.constant 112 : index
      %swap3A_76 = tpu.vector_load %arg5[%swap3A_74, %swap3A_75] {strides = array<i32>} : memref<80x128xf32, #tpu.memory_space<vmem>>, vector<16xf32>,
      tpu.vector_store %arg5[%swap3A_74, %swap3A_75], %broadcast_in_dim3A_3 {strides = array<i32>} : memref<80x128xf32, #tpu.memory_space<vmem>>, vector<16xf32>,
      %scan3A_77 = arith.constant 0 : i32
      scf.yield %scan3A_77 : i32
    }
    %scan3A_9 = arith.constant 80 : i32
    %iota3A = tpu.iota {dimensions = array<i32: 0>} : vector<16xi32>
    %add3A_10 = arith.constant 0 : i32
    %add3A_11 = vector.broadcast %add3A_10 : i32 to vector<16xi32>
    %add3A_12 = arith.addi %iota3A, %add3A_11 : vector<16xi32>
    %swap3A = arith.constant 0 : index
    %swap3A_13 = tpu.vector_load %arg6[%swap3A] {strides = array<i32>} : memref<80xi32, #tpu.memory_space<vmem>>, vector<16xi32>,
    tpu.vector_store %arg6[%swap3A], %add3A_12 {strides = array<i32>} : memref<80xi32, #tpu.memory_space<vmem>>, vector<16xi32>,
    %add3A_14 = arith.constant 16 : i32
    %add3A_15 = vector.broadcast %add3A_14 : i32 to vector<16xi32>
    %add3A_16 = arith.addi %iota3A, %add3A_15 : vector<16xi32>
    %swap3A_17 = arith.constant 16 : index
    %swap3A_18 = tpu.vector_load %arg6[%swap3A_17] {strides = array<i32>} : memref<80xi32, #tpu.memory_space<vmem>>, vector<16xi32>,
    tpu.vector_store %arg6[%swap3A_17], %add3A_16 {strides = array<i32>} : memref<80xi32, #tpu.memory_space<vmem>>, vector<16xi32>,
    %add3A_19 = arith.constant 32 : i32
    %add3A_20 = vector.broadcast %add3A_19 : i32 to vector<16xi32>
    %add3A_21 = arith.addi %iota3A, %add3A_20 : vector<16xi32>
    %swap3A_22 = arith.constant 32 : index
    %swap3A_23 = tpu.vector_load %arg6[%swap3A_22] {strides = array<i32>} : memref<80xi32, #tpu.memory_space<vmem>>, vector<16xi32>,
    tpu.vector_store %arg6[%swap3A_22], %add3A_21 {strides = array<i32>} : memref<80xi32, #tpu.memory_space<vmem>>, vector<16xi32>,
    %add3A_24 = arith.constant 48 : i32
    %add3A_25 = vector.broadcast %add3A_24 : i32 to vector<16xi32>
    %add3A_26 = arith.addi %iota3A, %add3A_25 : vector<16xi32>
    %swap3A_27 = arith.constant 48 : index
    %swap3A_28 = tpu.vector_load %arg6[%swap3A_27] {strides = array<i32>} : memref<80xi32, #tpu.memory_space<vmem>>, vector<16xi32>,
    tpu.vector_store %arg6[%swap3A_27], %add3A_26 {strides = array<i32>} : memref<80xi32, #tpu.memory_space<vmem>>, vector<16xi32>,
    %add3A_29 = arith.constant 64 : i32
    %add3A_30 = vector.broadcast %add3A_29 : i32 to vector<16xi32>
    %add3A_31 = arith.addi %iota3A, %add3A_30 : vector<16xi32>
    %swap3A_32 = arith.constant 64 : index
    %swap3A_33 = tpu.vector_load %arg6[%swap3A_32] {strides = array<i32>} : memref<80xi32, #tpu.memory_space<vmem>>, vector<16xi32>,
    tpu.vector_store %arg6[%swap3A_32], %add3A_31 {strides = array<i32>} : memref<80xi32, #tpu.memory_space<vmem>>, vector<16xi32>,
    %lt3A = arith.constant 10 : i32
    %lt3A_34 = arith.cmpi slt, %arg1, %lt3A : i32
    %convert_element_type3A = arith.extui %lt3A_34 : i1 to i32
    %cond3A = arith.constant 0 : i32
    %cond3A_35 = arith.cmpi ne, %convert_element_type3A, %cond3A : i32
    scf.if %cond3A_35 {
      %mul3A_51 = arith.constant 8 : i32
      %mul3A_52 = arith.muli %arg1, %mul3A_51 : i32
      %mul3A_53 = arith.constant 8 : i32
      %mul3A_54 = arith.muli %arg1, %mul3A_53 : i32
      "tpu.region"() ({
        %run_scoped3A_55 = tpu.sem_alloc : memref<!tpu.dma_semaphore, #tpu.memory_space<semaphore_mem>>
        %dma_start3A = arith.constant 0 : i32
        %dma_start3A_56 = tpu.memref_slice %arg5[%mul3A_52, %dma_start3A] : memref<80x128xf32, #tpu.memory_space<vmem>> -> memref<8x128xf32, #tpu.memory_space<vmem>>
        %dma_start3A_57 = arith.constant 0 : i32
        %dma_start3A_58 = tpu.memref_slice %arg7[%mul3A_54, %dma_start3A_57] : memref<80x128xf32, #tpu.memory_space<vmem_shared>> -> memref<8x128xf32, #tpu.memory_space<vmem_shared>>
        %dma_start3A_59 = arith.constant 0 : i32
        %dma_start3A_60 = tpu.memref_slice %arg7[%mul3A_54, %dma_start3A_59] : memref<80x128xf32, #tpu.memory_space<vmem_shared>> -> memref<8x128xf32, #tpu.memory_space<vmem_shared>>
        %dma_start3A_61 = arith.constant 0 : i32
        %dma_start3A_62 = tpu.memref_slice %arg5[%mul3A_52, %dma_start3A_61] : memref<80x128xf32, #tpu.memory_space<vmem>> -> memref<8x128xf32, #tpu.memory_space<vmem>>
        tpu.enqueue_dma source(%dma_start3A_62 : memref<8x128xf32, #tpu.memory_space<vmem>>) target(%dma_start3A_60 : memref<8x128xf32, #tpu.memory_space<vmem_shared>>) target_semaphore(%run_scoped3A_55 : memref<!tpu.dma_semaphore, #tpu.memory_space<semaphore_mem>>)
        %dma_wait3A = arith.constant 0 : i32
        %dma_wait3A_63 = tpu.memref_slice %arg5[%mul3A_52, %dma_wait3A] : memref<80x128xf32, #tpu.memory_space<vmem>> -> memref<8x128xf32, #tpu.memory_space<vmem>>
        %dma_wait3A_64 = arith.constant 0 : i32
        %dma_wait3A_65 = tpu.memref_slice %arg7[%mul3A_54, %dma_wait3A_64] : memref<80x128xf32, #tpu.memory_space<vmem_shared>> -> memref<8x128xf32, #tpu.memory_space<vmem_shared>>
        %dma_wait3A_66 = arith.constant 0 : i32
        %dma_wait3A_67 = tpu.memref_slice %arg7[%mul3A_54, %dma_wait3A_66] : memref<80x128xf32, #tpu.memory_space<vmem_shared>> -> memref<8x128xf32, #tpu.memory_space<vmem_shared>>
        %dma_wait3A_68 = arith.constant 0 : i32
        %dma_wait3A_69 = tpu.memref_slice %arg5[%mul3A_52, %dma_wait3A_68] : memref<80x128xf32, #tpu.memory_space<vmem>> -> memref<8x128xf32, #tpu.memory_space<vmem>>
        tpu.wait_dma2 semaphore(%run_scoped3A_55 : memref<!tpu.dma_semaphore, #tpu.memory_space<semaphore_mem>>) src(%dma_wait3A_69 : memref<8x128xf32, #tpu.memory_space<vmem>>) dst(%dma_wait3A_67 : memref<8x128xf32, #tpu.memory_space<vmem_shared>>)
        tpu.yield
      }) : () -> ()
    } else {
    }
    %broadcast_in_dim3A_36 = arith.constant 1.000000e+00 : f32
    %broadcast_in_dim3A_37 = vector.broadcast %broadcast_in_dim3A_36 : f32 to vector<16xf32>
    %scan3A_38 = arith.constant 0 : i32
    %scan3A_39 = arith.constant 0 : i32
    %scan3A_40 = arith.constant 640 : i32
    %scan3A_41 = arith.addi %scan3A_39, %scan3A_40 : i32
    %scan3A_42 = arith.constant 1 : i32
    %scan3A_43 = scf.for %scan3A_51 = %scan3A_39 to %scan3A_41 step %scan3A_42 iter_args(%scan3A_52 = %scan3A_38) -> (i32)  : i32 {
      %mul3A_53 = arith.constant 16 : i32
      %mul3A_54 = arith.muli %scan3A_51, %mul3A_53 : i32
      %get3A = arith.index_cast %mul3A_54 : i32 to index
      %get3A_55 = tpu.vector_load %arg4[%get3A] {strides = array<i32>} : memref<10240xi32, #tpu.memory_space<vmem>>, vector<16xi32>,
      %shift_right_arithmetic3A = arith.constant 7 : i32
      %shift_right_arithmetic3A_56 = vector.broadcast %shift_right_arithmetic3A : i32 to vector<16xi32>
      %shift_right_arithmetic3A_57 = arith.shrsi %get3A_55, %shift_right_arithmetic3A_56 : vector<16xi32>
      %and3A = arith.constant 127 : i32
      %and3A_58 = vector.broadcast %and3A : i32 to vector<16xi32>
      %and3A_59 = arith.andi %get3A_55, %and3A_58 : vector<16xi32>
      tpu.vector_store_idx %arg5[%shift_right_arithmetic3A_57, %and3A_59], %broadcast_in_dim3A_37 {add = true} : memref<80x128xf32, #tpu.memory_space<vmem>>[vector<16xi32>, vector<16xi32>], vector<16xf32>,
      %scan3A_60 = arith.constant 0 : i32
      scf.yield %scan3A_60 : i32
    }
    %scan3A_44 = arith.constant 640 : i32
    %barrier3A = arith.constant 0 : index
    tpu.barrier barrier_id(%barrier3A)
    "tpu.region"() ({
      %run_scoped3A_51 = tpu.sem_alloc : memref<!tpu.dma_semaphore, #tpu.memory_space<semaphore_mem>>
      %dma_start3A = arith.constant 0 : i32
      %dma_start3A_52 = arith.constant 0 : i32
      %dma_start3A_53 = tpu.memref_slice %arg7[%dma_start3A, %dma_start3A_52] : memref<80x128xf32, #tpu.memory_space<vmem_shared>> -> memref<80x128xf32, #tpu.memory_space<vmem_shared>>
      tpu.enqueue_indirect_dma source(%arg5 : memref<80x128xf32, #tpu.memory_space<vmem>>) target(%dma_start3A_53 : memref<80x128xf32, #tpu.memory_space<vmem_shared>>) offsets(%arg6 : memref<80xi32, #tpu.memory_space<vmem>>) semaphore(%run_scoped3A_51 : memref<!tpu.dma_semaphore, #tpu.memory_space<semaphore_mem>>) {add = true}
      %dma_wait3A = arith.constant 0 : i32
      %dma_wait3A_54 = arith.constant 0 : i32
      %dma_wait3A_55 = tpu.memref_slice %arg7[%dma_wait3A, %dma_wait3A_54] : memref<80x128xf32, #tpu.memory_space<vmem_shared>> -> memref<80x128xf32, #tpu.memory_space<vmem_shared>>
      tpu.wait_indirect_dma semaphore(%run_scoped3A_51 : memref<!tpu.dma_semaphore, #tpu.memory_space<semaphore_mem>>) src(%arg5 : memref<80x128xf32, #tpu.memory_space<vmem>>) dst(%dma_wait3A_55 : memref<80x128xf32, #tpu.memory_space<vmem_shared>>)
      tpu.yield
    }) : () -> ()
    %barrier3A_45 = arith.constant 0 : index
    tpu.barrier barrier_id(%barrier3A_45)
    %lt3A_46 = arith.constant 10 : i32
    %lt3A_47 = arith.cmpi slt, %arg1, %lt3A_46 : i32
    %convert_element_type3A_48 = arith.extui %lt3A_47 : i1 to i32
    %cond3A_49 = arith.constant 0 : i32
    %cond3A_50 = arith.cmpi ne, %convert_element_type3A_48, %cond3A_49 : i32
    scf.if %cond3A_50 {
      %mul3A_51 = arith.constant 8 : i32
      %mul3A_52 = arith.muli %arg1, %mul3A_51 : i32
      %mul3A_53 = arith.constant 8 : i32
      %mul3A_54 = arith.muli %arg1, %mul3A_53 : i32
      "tpu.region"() ({
        %run_scoped3A_55 = tpu.sem_alloc : memref<!tpu.dma_semaphore, #tpu.memory_space<semaphore_mem>>
        %dma_start3A = arith.constant 0 : i32
        %dma_start3A_56 = tpu.memref_slice %arg3[%arg0, %mul3A_54, %dma_start3A] : memref<2x80x128xf32, #tpu.memory_space<hbm>> -> memref<1x8x128xf32, #tpu.memory_space<hbm>>
        %dma_start3A_57 = tpu.memref_squeeze %dma_start3A_56 : memref<1x8x128xf32, #tpu.memory_space<hbm>> -> memref<8x128xf32, #tpu.memory_space<hbm>>
        %dma_start3A_58 = arith.constant 0 : i32
        %dma_start3A_59 = tpu.memref_slice %arg7[%mul3A_52, %dma_start3A_58] : memref<80x128xf32, #tpu.memory_space<vmem_shared>> -> memref<8x128xf32, #tpu.memory_space<vmem_shared>>
        tpu.enqueue_dma source(%dma_start3A_59 : memref<8x128xf32, #tpu.memory_space<vmem_shared>>) target(%dma_start3A_57 : memref<8x128xf32, #tpu.memory_space<hbm>>) target_semaphore(%run_scoped3A_55 : memref<!tpu.dma_semaphore, #tpu.memory_space<semaphore_mem>>)
        %dma_wait3A = arith.constant 0 : i32
        %dma_wait3A_60 = tpu.memref_slice %arg3[%arg0, %mul3A_54, %dma_wait3A] : memref<2x80x128xf32, #tpu.memory_space<hbm>> -> memref<1x8x128xf32, #tpu.memory_space<hbm>>
        %dma_wait3A_61 = tpu.memref_squeeze %dma_wait3A_60 : memref<1x8x128xf32, #tpu.memory_space<hbm>> -> memref<8x128xf32, #tpu.memory_space<hbm>>
        %dma_wait3A_62 = arith.constant 0 : i32
        %dma_wait3A_63 = tpu.memref_slice %arg7[%mul3A_52, %dma_wait3A_62] : memref<80x128xf32, #tpu.memory_space<vmem_shared>> -> memref<8x128xf32, #tpu.memory_space<vmem_shared>>
        tpu.wait_dma2 semaphore(%run_scoped3A_55 : memref<!tpu.dma_semaphore, #tpu.memory_space<semaphore_mem>>) src(%dma_wait3A_63 : memref<8x128xf32, #tpu.memory_space<vmem_shared>>) dst(%dma_wait3A_61 : memref<8x128xf32, #tpu.memory_space<hbm>>)
        tpu.yield
      }) : () -> ()
    } else {
    }
    return
  }
}

module attributes {stable_mosaic.version = 14 : i64} {
  func.func @_scale_body(%arg0: i32, %arg1: memref<1024x128xf32, #tpu.memory_space<vmem>>, %arg2: memref<1024x2xf32, #tpu.memory_space<vmem>>, %arg3: memref<1024x128xf32, #tpu.memory_space<vmem>>, %arg4: memref<1024x1xf32, #tpu.memory_space<vmem>>) attributes {dimension_semantics = [#tpu.dimension_semantics<arbitrary>], iteration_bounds = array<i64: 10>, scalar_prefetch = 0 : i64, scratch_operands = 0 : i64, tpu.core_type = #tpu.core_type<tc>, window_params = [{transform_indices = @transform_0, window_bounds = array<i64: 1024, 128>}, {transform_indices = @transform_1, window_bounds = array<i64: 1024, 2>}, {transform_indices = @transform_2, window_bounds = array<i64: 1024, 128>}, {transform_indices = @transform_3, window_bounds = array<i64: 1024, 1>}]} {
    %get3A = arith.constant 0 : index
    %get3A_0 = arith.constant 0 : index
    %get3A_1 = vector.load %arg2[%get3A, %get3A_0] : memref<1024x2xf32, #tpu.memory_space<vmem>>, vector<1024x1xf32>
    %get3A_2 = arith.constant 0 : index
    %get3A_3 = arith.constant 1 : index
    %get3A_4 = vector.load %arg2[%get3A_2, %get3A_3] : memref<1024x2xf32, #tpu.memory_space<vmem>>, vector<1024x1xf32>
    %add3A = arith.addf %get3A_1, %get3A_4 : vector<1024x1xf32>
    %add3A_5 = arith.constant 1.000000e+00 : f32
    %add3A_6 = vector.broadcast %add3A_5 : f32 to vector<1024x1xf32>
    %add3A_7 = arith.addf %add3A, %add3A_6 : vector<1024x1xf32>
    %rsqrt3A = math.rsqrt %add3A_7 : vector<1024x1xf32>
    %get3A_8 = arith.constant 0 : index
    %get3A_9 = arith.constant 0 : index
    %get3A_10 = vector.load %arg1[%get3A_8, %get3A_9] : memref<1024x128xf32, #tpu.memory_space<vmem>>, vector<1024x128xf32>
    %mul3A = vector.broadcast %rsqrt3A : vector<1024x1xf32> to vector<1024x128xf32>
    %mul3A_11 = arith.mulf %mul3A, %get3A_10 : vector<1024x128xf32>
    %swap3A = arith.constant 0 : index
    %swap3A_12 = arith.constant 0 : index
    %swap3A_13 = vector.load %arg3[%swap3A, %swap3A_12] : memref<1024x128xf32, #tpu.memory_space<vmem>>, vector<1024x128xf32>
    tpu.vector_store %arg3[%swap3A, %swap3A_12], %mul3A_11 {strides = array<i32>} : memref<1024x128xf32, #tpu.memory_space<vmem>>, vector<1024x128xf32>,
    %swap3A_14 = arith.constant 0 : index
    %swap3A_15 = arith.constant 0 : index
    %swap3A_16 = vector.load %arg4[%swap3A_14, %swap3A_15] : memref<1024x1xf32, #tpu.memory_space<vmem>>, vector<1024x1xf32>
    tpu.vector_store %arg4[%swap3A_14, %swap3A_15], %rsqrt3A {strides = array<i32>} : memref<1024x1xf32, #tpu.memory_space<vmem>>, vector<1024x1xf32>,
    return
  }
  func.func @transform_0(%arg0: i32) -> (i32, i32) {
    %c0_i32 = arith.constant 0 : i32
    %c0_i32_0 = arith.constant 0 : i32
    return %arg0, %c0_i32 : i32, i32
  }
  func.func @transform_1(%arg0: i32) -> (i32, i32) {
    %c0_i32 = arith.constant 0 : i32
    %c0_i32_0 = arith.constant 0 : i32
    return %arg0, %c0_i32 : i32, i32
  }
  func.func @transform_2(%arg0: i32) -> (i32, i32) {
    %c0_i32 = arith.constant 0 : i32
    %c0_i32_0 = arith.constant 0 : i32
    return %arg0, %c0_i32 : i32, i32
  }
  func.func @transform_3(%arg0: i32) -> (i32, i32) {
    %c0_i32 = arith.constant 0 : i32
    %c0_i32_0 = arith.constant 0 : i32
    return %arg0, %c0_i32 : i32, i32
  }
}

module attributes {stable_mosaic.version = 14 : i64} {
  func.func @_final_body(%arg0: i32, %arg1: memref<2x1024x128xf32, #tpu.memory_space<vmem>>, %arg2: memref<1024x128xf32, #tpu.memory_space<vmem>>, %arg3: memref<1024x2xf32, #tpu.memory_space<vmem>>, %arg4: memref<1024x1xf32, #tpu.memory_space<vmem>>, %arg5: memref<128x128xf32, #tpu.memory_space<vmem>>, %arg6: memref<1x128xf32, #tpu.memory_space<vmem>>, %arg7: memref<128x128xf32, #tpu.memory_space<vmem>>, %arg8: memref<1x128xf32, #tpu.memory_space<vmem>>, %arg9: memref<1x128xf32, #tpu.memory_space<vmem>>, %arg10: memref<1x128xf32, #tpu.memory_space<vmem>>) attributes {dimension_semantics = [#tpu.dimension_semantics<arbitrary>], iteration_bounds = array<i64: 10>, scalar_prefetch = 0 : i64, scratch_operands = 1 : i64, tpu.core_type = #tpu.core_type<tc>, window_params = [{transform_indices = @transform_0, window_bounds = array<i64: 2, 1024, 128>}, {transform_indices = @transform_1, window_bounds = array<i64: 1024, 128>}, {transform_indices = @transform_2, window_bounds = array<i64: 1024, 2>}, {transform_indices = @transform_3, window_bounds = array<i64: 1024, 1>}, {pipeline_mode = #tpu.pipeline_mode<synchronous>, transform_indices = @transform_4, window_bounds = array<i64: 128, 128>}, {pipeline_mode = #tpu.pipeline_mode<synchronous>, transform_indices = @transform_5, window_bounds = array<i64: 1, 128>}, {pipeline_mode = #tpu.pipeline_mode<synchronous>, transform_indices = @transform_6, window_bounds = array<i64: 128, 128>}, {pipeline_mode = #tpu.pipeline_mode<synchronous>, transform_indices = @transform_7, window_bounds = array<i64: 1, 128>}, {pipeline_mode = #tpu.pipeline_mode<synchronous>, transform_indices = @transform_8, window_bounds = array<i64: 1, 128>}]} {
    %get3A = arith.constant 0 : index
    %get3A_0 = arith.constant 0 : index
    %get3A_1 = vector.load %arg4[%get3A, %get3A_0] : memref<1024x1xf32, #tpu.memory_space<vmem>>, vector<1024x1xf32>
    %get3A_2 = arith.constant 0 : index
    %get3A_3 = arith.constant 0 : index
    %get3A_4 = vector.load %arg3[%get3A_2, %get3A_3] : memref<1024x2xf32, #tpu.memory_space<vmem>>, vector<1024x1xf32>
    %get3A_5 = arith.constant 0 : index
    %get3A_6 = arith.constant 1 : index
    %get3A_7 = vector.load %arg3[%get3A_5, %get3A_6] : memref<1024x2xf32, #tpu.memory_space<vmem>>, vector<1024x1xf32>
    %add3A = arith.addf %get3A_4, %get3A_7 : vector<1024x1xf32>
    %mul3A = arith.mulf %get3A_1, %add3A : vector<1024x1xf32>
    %mul3A_8 = arith.mulf %get3A_1, %get3A_1 : vector<1024x1xf32>
    %add3A_9 = arith.addf %mul3A, %mul3A_8 : vector<1024x1xf32>
    %mul3A_10 = arith.constant 1024 : i32
    %mul3A_11 = arith.muli %arg0, %mul3A_10 : i32
    %iota3A = tpu.iota {dimensions = array<i32: 0>} : vector<1024x1xi32>
    %add3A_12 = vector.broadcast %mul3A_11 : i32 to vector<1024x1xi32>
    %add3A_13 = arith.addi %add3A_12, %iota3A : vector<1024x1xi32>
    %lt3A = arith.constant 10000 : i32
    %lt3A_14 = vector.broadcast %lt3A : i32 to vector<1024x1xi32>
    %lt3A_15 = arith.cmpi slt, %add3A_13, %lt3A_14 : vector<1024x1xi32>
    %jit3A = arith.constant 0.000000e+00 : f32
    %broadcast_in_dim3A = vector.broadcast %jit3A : f32 to vector<1024x1xf32>
    %select_n3A = arith.select %lt3A_15, %add3A_9, %broadcast_in_dim3A : vector<1024x1xi1>, vector<1024x1xf32>
    %get3A_16 = arith.constant 0 : index
    %get3A_17 = arith.constant 0 : index
    %get3A_18 = arith.constant 0 : index
    %get3A_19 = vector.load %arg1[%get3A_16, %get3A_17, %get3A_18] : memref<2x1024x128xf32, #tpu.memory_space<vmem>>, vector<1x1024x128xf32>
    %get3A_20 = vector.shape_cast %get3A_19 : vector<1x1024x128xf32> to vector<1024x128xf32>
    %get3A_21 = arith.constant 1 : index
    %get3A_22 = arith.constant 0 : index
    %get3A_23 = arith.constant 0 : index
    %get3A_24 = vector.load %arg1[%get3A_21, %get3A_22, %get3A_23] : memref<2x1024x128xf32, #tpu.memory_space<vmem>>, vector<1x1024x128xf32>
    %get3A_25 = vector.shape_cast %get3A_24 : vector<1x1024x128xf32> to vector<1024x128xf32>
    %add3A_26 = arith.addf %get3A_20, %get3A_25 : vector<1024x128xf32>
    %get3A_27 = arith.constant 0 : index
    %get3A_28 = arith.constant 0 : index
    %get3A_29 = vector.load %arg2[%get3A_27, %get3A_28] : memref<1024x128xf32, #tpu.memory_space<vmem>>, vector<1024x128xf32>
    %add3A_30 = arith.addf %add3A_26, %get3A_29 : vector<1024x128xf32>
    %mul3A_31 = vector.broadcast %get3A_1 : vector<1024x1xf32> to vector<1024x128xf32>
    %mul3A_32 = arith.mulf %mul3A_31, %add3A_30 : vector<1024x128xf32>
    %get3A_33 = arith.constant 0 : index
    %get3A_34 = arith.constant 0 : index
    %get3A_35 = vector.load %arg5[%get3A_33, %get3A_34] : memref<128x128xf32, #tpu.memory_space<vmem>>, vector<128x128xf32>
    %dot_general3A = arith.constant dense<0.000000e+00> : vector<1024x128xf32>
    %dot_general3A_36 = tpu.matmul %mul3A_32, %get3A_35, %dot_general3A {dimension_numbers = #tpu.dot_dimension_numbers<[1], [0], [0], [1], [0, 0, 1, 1], [], []>, precision = #tpu.contract_precision<fp32>, transpose_lhs_hint = false} : vector<1024x128xf32>, vector<128x128xf32>, vector<1024x128xf32> -> vector<1024x128xf32>
    %get3A_37 = arith.constant 0 : index
    %get3A_38 = arith.constant 0 : index
    %get3A_39 = vector.load %arg6[%get3A_37, %get3A_38] : memref<1x128xf32, #tpu.memory_space<vmem>>, vector<1x128xf32>
    %add3A_40 = vector.broadcast %get3A_39 : vector<1x128xf32> to vector<1024x128xf32>
    %add3A_41 = arith.addf %dot_general3A_36, %add3A_40 : vector<1024x128xf32>
    %max3A = arith.constant 0.000000e+00 : f32
    %max3A_42 = vector.broadcast %max3A : f32 to vector<1024x128xf32>
    %max3A_43 = arith.maximumf %add3A_41, %max3A_42 : vector<1024x128xf32>
    %mul3A_44 = vector.broadcast %select_n3A : vector<1024x1xf32> to vector<1024x128xf32>
    %mul3A_45 = arith.mulf %mul3A_44, %max3A_43 : vector<1024x128xf32>
    %reduce_sum3A = arith.constant dense<0.000000e+00> : vector<128xf32>
    %reduce_sum3A_46 = vector.multi_reduction <add>, %mul3A_45, %reduce_sum3A [0] : vector<1024x128xf32> to vector<128xf32>
    %broadcast_in_dim3A_47 = vector.shape_cast %reduce_sum3A_46 : vector<128xf32> to vector<1x128xf32>
    %eq3A = arith.constant 0 : i32
    %eq3A_48 = arith.cmpi eq, %arg0, %eq3A : i32
    %convert_element_type3A = arith.extui %eq3A_48 : i1 to i32
    %cond3A = arith.constant 0 : i32
    %cond3A_49 = arith.cmpi ne, %convert_element_type3A, %cond3A : i32
    scf.if %cond3A_49 {
      %swap3A = arith.constant 0 : index
      %swap3A_59 = arith.constant 0 : index
      %swap3A_60 = vector.load %arg10[%swap3A, %swap3A_59] : memref<1x128xf32, #tpu.memory_space<vmem>>, vector<1x128xf32>
      tpu.vector_store %arg10[%swap3A, %swap3A_59], %broadcast_in_dim3A_47 {strides = array<i32>} : memref<1x128xf32, #tpu.memory_space<vmem>>, vector<1x128xf32>,
    } else {
    }
    %gt3A = arith.constant 0 : i32
    %gt3A_50 = arith.cmpi sgt, %arg0, %gt3A : i32
    %convert_element_type3A_51 = arith.extui %gt3A_50 : i1 to i32
    %cond3A_52 = arith.constant 0 : i32
    %cond3A_53 = arith.cmpi ne, %convert_element_type3A_51, %cond3A_52 : i32
    scf.if %cond3A_53 {
      %get3A_59 = arith.constant 0 : index
      %get3A_60 = arith.constant 0 : index
      %get3A_61 = vector.load %arg10[%get3A_59, %get3A_60] : memref<1x128xf32, #tpu.memory_space<vmem>>, vector<1x128xf32>
      %add3A_62 = arith.addf %get3A_61, %broadcast_in_dim3A_47 : vector<1x128xf32>
      %swap3A = arith.constant 0 : index
      %swap3A_63 = arith.constant 0 : index
      %swap3A_64 = vector.load %arg10[%swap3A, %swap3A_63] : memref<1x128xf32, #tpu.memory_space<vmem>>, vector<1x128xf32>
      tpu.vector_store %arg10[%swap3A, %swap3A_63], %add3A_62 {strides = array<i32>} : memref<1x128xf32, #tpu.memory_space<vmem>>, vector<1x128xf32>,
    } else {
    }
    %eq3A_54 = arith.constant 9 : i32
    %eq3A_55 = arith.cmpi eq, %arg0, %eq3A_54 : i32
    %convert_element_type3A_56 = arith.extui %eq3A_55 : i1 to i32
    %cond3A_57 = arith.constant 0 : i32
    %cond3A_58 = arith.cmpi ne, %convert_element_type3A_56, %cond3A_57 : i32
    scf.if %cond3A_58 {
      %get3A_59 = arith.constant 0 : index
      %get3A_60 = arith.constant 0 : index
      %get3A_61 = vector.load %arg10[%get3A_59, %get3A_60] : memref<1x128xf32, #tpu.memory_space<vmem>>, vector<1x128xf32>
      %get3A_62 = arith.constant 0 : index
      %get3A_63 = arith.constant 0 : index
      %get3A_64 = vector.load %arg7[%get3A_62, %get3A_63] : memref<128x128xf32, #tpu.memory_space<vmem>>, vector<128x128xf32>
      %dot_general3A_65 = arith.constant dense<0.000000e+00> : vector<1x128xf32>
      %dot_general3A_66 = tpu.matmul %get3A_61, %get3A_64, %dot_general3A_65 {dimension_numbers = #tpu.dot_dimension_numbers<[1], [0], [0], [1], [0, 0, 1, 1], [], []>, precision = #tpu.contract_precision<fp32>, transpose_lhs_hint = false} : vector<1x128xf32>, vector<128x128xf32>, vector<1x128xf32> -> vector<1x128xf32>
      %div3A = arith.constant 1.000000e+04 : f32
      %div3A_67 = vector.broadcast %div3A : f32 to vector<1x128xf32>
      %div3A_68 = arith.divf %dot_general3A_66, %div3A_67 : vector<1x128xf32>
      %get3A_69 = arith.constant 0 : index
      %get3A_70 = arith.constant 0 : index
      %get3A_71 = vector.load %arg8[%get3A_69, %get3A_70] : memref<1x128xf32, #tpu.memory_space<vmem>>, vector<1x128xf32>
      %add3A_72 = arith.addf %div3A_68, %get3A_71 : vector<1x128xf32>
      %swap3A = arith.constant 0 : index
      %swap3A_73 = arith.constant 0 : index
      %swap3A_74 = vector.load %arg9[%swap3A, %swap3A_73] : memref<1x128xf32, #tpu.memory_space<vmem>>, vector<1x128xf32>
      tpu.vector_store %arg9[%swap3A, %swap3A_73], %add3A_72 {strides = array<i32>} : memref<1x128xf32, #tpu.memory_space<vmem>>, vector<1x128xf32>,
    } else {
    }
    return
  }
  func.func @transform_0(%arg0: i32) -> (i32, i32, i32) {
    %c0_i32 = arith.constant 0 : i32
    %c0_i32_0 = arith.constant 0 : i32
    %c0_i32_1 = arith.constant 0 : i32
    return %c0_i32, %arg0, %c0_i32_0 : i32, i32, i32
  }
  func.func @transform_1(%arg0: i32) -> (i32, i32) {
    %c0_i32 = arith.constant 0 : i32
    %c0_i32_0 = arith.constant 0 : i32
    return %arg0, %c0_i32 : i32, i32
  }
  func.func @transform_2(%arg0: i32) -> (i32, i32) {
    %c0_i32 = arith.constant 0 : i32
    %c0_i32_0 = arith.constant 0 : i32
    return %arg0, %c0_i32 : i32, i32
  }
  func.func @transform_3(%arg0: i32) -> (i32, i32) {
    %c0_i32 = arith.constant 0 : i32
    %c0_i32_0 = arith.constant 0 : i32
    return %arg0, %c0_i32 : i32, i32
  }
  func.func @transform_4(%arg0: i32) -> (i32, i32) {
    %c0_i32 = arith.constant 0 : i32
    %c0_i32_0 = arith.constant 0 : i32
    %c0_i32_1 = arith.constant 0 : i32
    return %c0_i32, %c0_i32_0 : i32, i32
  }
  func.func @transform_5(%arg0: i32) -> (i32, i32) {
    %c0_i32 = arith.constant 0 : i32
    %c0_i32_0 = arith.constant 0 : i32
    %c0_i32_1 = arith.constant 0 : i32
    return %c0_i32, %c0_i32_0 : i32, i32
  }
  func.func @transform_6(%arg0: i32) -> (i32, i32) {
    %c0_i32 = arith.constant 0 : i32
    %c0_i32_0 = arith.constant 0 : i32
    %c0_i32_1 = arith.constant 0 : i32
    return %c0_i32, %c0_i32_0 : i32, i32
  }
  func.func @transform_7(%arg0: i32) -> (i32, i32) {
    %c0_i32 = arith.constant 0 : i32
    %c0_i32_0 = arith.constant 0 : i32
    %c0_i32_1 = arith.constant 0 : i32
    return %c0_i32, %c0_i32_0 : i32, i32
  }
  func.func @transform_8(%arg0: i32) -> (i32, i32) {
    %c0_i32 = arith.constant 0 : i32
    %c0_i32_0 = arith.constant 0 : i32
    %c0_i32_1 = arith.constant 0 : i32
    return %c0_i32, %c0_i32_0 : i32, i32
  }
}

</mosaic_0001>

<sc_bundles>
// kernel: kernel.6.cloned.1.call-start
scs
__scs_entry_jumppad:
0x0: {  	(pc) =	sbr.rel $0x88, $3  }
0x1: {  	(tag) =	ssettag $0x0;
	lr =	simm.s32 $0x1  }
0x2: {  	[smem:$0x3F9B] =	sst lr;
	_ =	strace $0xD0000000  }
0x3: {  	_ = 	snop  }
0x4: {  	_ = 	snop  }
0x5: {  	_ = 	snop  }
0x6: {  	_ = 	snop  }
0x7: {  	_ = 	snop  }
__scs_overlays_trampoline_lowered:
0x8: {  	[smem:$0x3FAA] =	sst s0  }
0x9: {  	[smem:$0x3FAB] =	sst s1  }
0xa: {  	[smem:$0x3FAC] =	sst s2  }
0xb: {  	[smem:$0x3FAD] =	sst s3  }
0xc: {  	[smem:$0x3FAE] =	sst s4  }
0xd: {  	[smem:$0x3FAF] =	sst s5  }
0xe: {  	[smem:$0x3FB0] =	sst s6  }
0xf: {  	[smem:$0x3FB1] =	sst s7  }
0x10: {  	[smem:$0x3FB2] =	sst s8  }
0x11: {  	[smem:$0x3FB3] =	sst s9;
	s0 =	simm.s32 @!p0 $0x0  }
0x12: {  	s1 =	sld [smem:$0x3F99];
	s0 =	simm.s32 @p0 $0x1  }
0x13: {  	[smem:$0x3FB4] =	sst s0;
	s0 =	simm.s32 @!p1 $0x0  }
0x14: {  	s2 =	sld [smem:$0x3F98];
	s0 =	simm.s32 @p1 $0x1  }
0x15: {  	[smem:$0x3FB5] =	sst s0;
	s0 =	simm.s32 @!p2 $0x0  }
0x16: {  	s3 =	sld [smem:$0x3FDB];
	s0 =	simm.s32 @p2 $0x1  }
0x17: {  	s4 =	simm.s32 $0x1BF5;
	[smem:$0x3FB7] =	sst s0  }
0x18: {  	s0 =	sld [smem:$0x3F9A];
	_ =	swait.ge [sflag:s4], $0x0  }
0x19: {  	s7 =	sld [smem:$0x3F9B]  }
0x1a: {  	s8 =	sadd.s32 $0xFFFFE003, lr  }
0x1b: {  	s9 =	sadd.s32 $0xFFFFFEF7, lr;
	s5 =	simm.s32 $0xFFFFFFFF;
	p2 =	slt.u32 s8, $0xFFFFF086  }
0x1c: {  	p1 =	slt.u32 s9, $0xF7A;
	s5 =	simm.s32 @!p2 $0x0  }
0x1d: {  	s5 =	simm.s32 @p1 $0x1;
	p0 =	seq.s32 s7, s2  }
0x1e: {  	s7 =	smul.u32 @!p0 $0xF7A, s2;
	p2 =	seq.s32 @!p0 s5, $0x0  }
0x1f: {  	s9 =	smul.u32 $0xF7A, s1;
	s8 =	simm.s32 @!p0 $0x1BF5;
	p2 =	por !p2, p0  }
0x20: {  	[sflag:s8] =	ssyncset.s32 @!p0 $0xFFFFF086;
	s6 =	sadd.s32 @!p0 s3, s7;
	s7 =	simm.s32 @!p0 $0x108  }
0x21: {  	s3 =	sadd.s32 s3, s9;
	s6 =	sadd.s32 @!p0 $0x88, s6;
	s7 =	simm.s32 @p2 $0x1082  }
0x22: {  	[simem:s7], [sflag:s8] =	dma.local @!p0 [hbm:s6], $0xF7A  }
0x23: {  	s9 =	sor.u32 $0xD0000000, s2;
	s6 =	simm.s32 $0x108;
	_ =	swait.ge @!p0 [sflag:s8], $0x0  }
0x24: {  	s3 =	sadd.s32 $0x88, s3;
	s6 =	simm.s32 @!p1 $0x1082;
	[sflag:s4] =	ssyncset.s32 $0xFFFFF086  }
0x25: {  	[simem:s6], [sflag:s4] =	dma.local [hbm:s3], $0xF7A  }
0x26: {  	[smem:$0x3F9B] =	sst s1;
	(tag) =	ssettag s2;
	_ =	strace s9  }
0x27: {  	s1 =	sld [smem:$0x3FAB]  }
0x28: {  	s2 =	sld [smem:$0x3FAC]  }
0x29: {  	s4 =	sld [smem:$0x3FAE]  }
0x2a: {  	p0 =	seq.s32 s5, $0x0;
	s5 =	sld [smem:$0x3FAF]  }
0x2b: {  	s6 =	sld [smem:$0x3FB0]  }
0x2c: {  	s7 =	sld [smem:$0x3FB1]  }
0x2d: {  	s3 =	simm.s32 $0x108;
	s8 =	sld [smem:$0x3FB2]  }
0x2e: {  	s3 =	simm.s32 @!p0 $0x1082;
	s9 =	sld [smem:$0x3FB3]  }
0x2f: {  	lr =	sadd.s32 s0, s3;
	s0 =	sld [smem:$0x3FAA]  }
0x30: {  	s3 =	sld [smem:$0x3FAD]  }
0x31: {  	[smem:$0x3FB6] =	sst s10  }
0x32: {  	s10 =	sld [smem:$0x3FB4];
	_ =	sdelay $0x3  }
0x33: {  	p0 =	seq.s32 s10, $0x1;
	s10 =	sld [smem:$0x3FB6];
	_ =	sdelay $0x3  }
0x34: {  	[smem:$0x3FB6] =	sst s10  }
0x35: {  	s10 =	sld [smem:$0x3FB5];
	_ =	sdelay $0x3  }
0x36: {  	p1 =	seq.s32 s10, $0x1;
	s10 =	sld [smem:$0x3FB6];
	_ =	sdelay $0x3  }
0x37: {  	[smem:$0x3FB6] =	sst s10  }
0x38: {  	s10 =	sld [smem:$0x3FB7]  }
0x39: {  	_ = 	snop;
	(pc) =	sbr.ind lr, $3  }
0x3a: {  	_ = 	snop  }
0x3b: {  	_ = 	snop  }
0x3c: {  	p2 =	seq.s32 s10, $0x1;
	s10 =	sld [smem:$0x3FB6]  }
0x3d: {  	_ =	shalt  }
0x3e: {  	_ =	shalt  }
0x3f: {  	_ =	shalt  }
0x40: {  	_ =	shalt  }
0x41: {  	_ =	shalt  }
0x42: {  	_ =	shalt  }
0x43: {  	_ =	shalt  }
0x44: {  	_ =	shalt  }
0x45: {  	_ =	shalt  }
0x46: {  	_ =	shalt  }
0x47: {  	_ =	shalt  }
0x48: {  	_ =	shalt  }
0x49: {  	_ =	shalt  }
0x4a: {  	_ =	shalt  }
0x4b: {  	_ =	shalt  }
0x4c: {  	_ =	shalt  }
0x4d: {  	_ =	shalt  }
0x4e: {  	_ =	shalt  }
0x4f: {  	_ =	shalt  }
0x50: {  	_ =	shalt  }
0x51: {  	_ =	shalt  }
0x52: {  	_ =	shalt  }
0x53: {  	_ =	shalt  }
0x54: {  	_ =	shalt  }
0x55: {  	_ =	shalt  }
0x56: {  	_ =	shalt  }
0x57: {  	_ =	shalt  }
0x58: {  	_ =	shalt  }
0x59: {  	_ =	shalt  }
0x5a: {  	_ =	shalt  }
0x5b: {  	_ =	shalt  }
0x5c: {  	_ =	shalt  }
0x5d: {  	_ =	shalt  }
0x5e: {  	_ =	shalt  }
0x5f: {  	_ =	shalt  }
0x60: {  	_ =	shalt  }
0x61: {  	_ =	shalt  }
0x62: {  	_ =	shalt  }
0x63: {  	_ =	shalt  }
0x64: {  	_ =	shalt  }
0x65: {  	_ =	shalt  }
0x66: {  	_ =	shalt  }
0x67: {  	_ =	shalt  }
0x68: {  	_ =	shalt  }
0x69: {  	_ =	shalt  }
0x6a: {  	_ =	shalt  }
0x6b: {  	_ =	shalt  }
0x6c: {  	_ =	shalt  }
0x6d: {  	_ =	shalt  }
0x6e: {  	_ =	shalt  }
0x6f: {  	_ =	shalt  }
0x70: {  	_ =	shalt  }
0x71: {  	_ =	shalt  }
0x72: {  	_ =	shalt  }
0x73: {  	_ =	shalt  }
0x74: {  	_ =	shalt  }
0x75: {  	_ =	shalt  }
0x76: {  	_ =	shalt  }
0x77: {  	_ =	shalt  }
0x78: {  	_ =	shalt  }
0x79: {  	_ =	shalt  }
0x7a: {  	_ =	shalt  }
0x7b: {  	_ =	shalt  }
0x7c: {  	_ =	shalt  }
0x7d: {  	_ =	shalt  }
0x7e: {  	_ =	shalt  }
0x7f: {  	_ =	shalt  }
0x80: {  	_ =	shalt  }
0x81: {  	_ =	shalt  }
0x82: {  	_ =	shalt  }
0x83: {  	_ =	shalt  }
0x84: {  	_ =	shalt  }
0x85: {  	_ =	shalt  }
0x86: {  	_ =	shalt  }
0x87: {  	_ =	shalt  }
.Lfunc_end0:
.L_simem_size_0:
called_computation_lowered:
.L_overlay_start_0:
0x88: {  	s2 =	sld [smem:$0x3FD9]  }
0x89: {  	s3 =	sld [smem:$0x3FFE];
	_ =	sdelay $0x1  }
0x8a: {  	s1 =	srdreg.scid  }
0x8b: {  	s0 =	sand.u32 $0x1, s1  }
0x8c: {  	s16 =	sshll.u32 s0, $0xA;
	s2 =	sadd.s32 s3, s2  }
0x8d: {  	s2 =	sadd.s32 s2, s16  }
0x8e: {  	[smem:$0x3FC2] =	sst s2  }
0x8f: {  	_ = 	snop  }
0x90: {  	(tm) =	ssettm $0x1  }
0x91: {  	s17 =	sld [smem:$0x3FFB];
	_ =	sdelay $0x3  }
0x92: {  	_ =	strace s17  }
0x93: {  	s2 =	sld [smem:$0x3FFC];
	_ =	sdelay $0x3  }
0x94: {  	_ =	strace s2  }
0x95: {  	s2 =	sld [smem:$0x3FFD];
	_ =	sdelay $0x3  }
0x96: {  	_ =	strace s2  }
0x97: {  	_ =	strace $0x8FFFFFFF  }
0x98: {  	s18 =	sld [smem:$0x3FDB];
	_ =	sdelay $0x1  }
0x99: {  	s19 =	simm.s32 $_scs_section_size  }
0x9a: {  	s4 =	simm.s32 $_size__tile_overlayer_lowered;
	s5 =	simm.s32 $_tile_overlayer_lowered  }
0x9b: {  	s22 =	simm.s32 $0x1BFF;
	s21 =	sshll.u32 s5, $0x1;
	s2 =	sadd.s32 s19, s18  }
0x9c: {  	s6 =	simm.s32 $0x0;
	s20 =	sshll.u32 s4, $0x1;
	s4 =	sadd.s32 s21, s2  }
0x9d: {  	[timem:s6], [sflag:s22] =	dma.local [hbm:s4], s20  }
0x9e: {  	_ =	swait.ge [sflag:s22], s20  }
0x9f: {  	s3 =	ssub.s32 $0x0, s20;
	[sflag:s22] =	ssyncset.done $0x0  }
0xa0: {  	[sflag:s22] =	ssyncadd.s32 s3;
	_ =	sdelay $0x1  }
0xa1: {  	s23 =	simm.s32 $0x1B8B  }
0xa2: {  	_ =	swait.ge [sflag:s23], $0x1  }
0xa3: {  	[sflag:s23] =	ssyncset.done $0x0  }
0xa4: {  	s25 =	simm.s32 $0x1B8E;
	s24 =	sld [smem:$0x3FFE];
	[sflag:s23] =	ssyncadd.s32 $0xFFFFFFFF  }
0xa5: {  	s26 =	simm.s32 $execute0_lowered;
	[smem:$0x3FD2] =	sst s25  }
0xa6: {  	s4 =	sshll.u32 s26, $0x1;
	_ =	strace $0x80000046;
	[dreg:$0x1] =	wrdreg $0xFFFFFFFF  }
0xa7: {  	s28 =	simm.s32 $_size_execute0_lowered;
	s2 =	sadd.s32 s2, s4;
	[dreg:$0x0] =	wrdreg $0x0  }
0xa8: {  	s4 =	sshll.u32 s28, $0x1;
	[dreg:$0x2] =	wrdreg s2  }
0xa9: {  	[dreg:$0x3] =	wrdreg s4  }
0xaa: {  	[dreg:$0x4] =	wrdreg $0xC0  }
0xab: {  	_ =	task [dreg:s6], $0x5FFFF  }
0xac: {  	[dreg:$0x1] =	wrdreg $0xFFFFFFFF  }
0xad: {  	[dreg:$0x0] =	wrdreg $0x60  }
0xae: {  	[dreg:$0x2] =	wrdreg s24  }
0xaf: {  	[dreg:$0x3] =	wrdreg $0x50800  }
0xb0: {  	[dreg:$0x4] =	wrdreg $0x9  }
0xb1: {  	_ =	task.clear_ibuf [dreg:s6], $0x5FFFF;
	_ =	strace $0x90000046  }
0xb2: {  	s29 =	simm.s32 $0x9;
	_ =	strace $0x80000048  }
0xb3: {  	_ =	swait.ge [sflag:s29], $0x1  }
0xb4: {  	[sflag:s29] =	ssyncadd.s32 $0xFFFFFFFF  }
0xb5: {  	_ =	strace $0x90000048  }
0xb6: {  	_ =	sfence  }
0xb7: {  	s30 =	sld [smem:$0x0];
	_ =	sdelay $0x2  }
0xb8: {  	s31 =	sshll.u32 s1, $0xD;
	s1 =	sshrl.u32 s1, $0x2  }
0xb9: {  	s3 =	sand.u32 $0x4000, s31;
	s1 =	sadd.s32 s1, s30  }
0xba: {  	s0 =	sor.u32 s3, s0;
	s1 =	sshll.u32 s1, $0x11  }
0xbb: {  	s0 =	sor.u32 s1, s0  }
0xbc: {  	s0 =	sadd.s32 $0x8F2B, s0  }
0xbd: {  	[sflag:s0] =	ssyncadd.remote.s32 $0x1  }
0xbe: {  	_ =	sfence.sel $0xFFFF  }
0xbf: {  	[dreg:$0x0] =	wrdreg $0xFFFFFFFF;
	(pc) =	sbr.abs _section_cstart, $3  }
0xc0: {  	[dreg:$0x1] =	wrdreg $0xFFFFFFFF  }
0xc1: {  	_ =	task.clear_ibuf [dreg:s6], $0x2FFFF;
	_ =	strace $0x9FFFFFFF  }
0xc2: {  	(tm) =	ssettm $0x7FFFFFFF  }
0xc3: {  	_ =	shalt  }
tec
execute0_lowered:
.L_overlay_start_1:
0x0: {  	(tag) =	ssettag $0x1  }
0x1: {  	s4 =	rddreg [dreg:$0x0]  }
0x2: {  	s2 =	rddreg [dreg:$0x1]  }
0x3: {  	s3 =	srdreg.scid;
	s1 =	stileid.u32  }
0x4: {  	s0 =	rddreg [dreg:$0x2];
	s10 =	simm.s32 $0x100;
	s11 =	simm.s32 $0x1  }
0x5: {  	s12 =	simm.s32 $0x2800;
	s13 =	simm.s32 $0x50;
	s14 =	simm.s32 $0x5000  }
0x6: {  	s17 =	simm.s32 $0x0;
	s5 =	sand.u32 $0x1, s3;
	s6 =	sshll.u32 s1, $0x1  }
0x7: {  	s3 =	simm.s32 $0x0;
	s8 =	sshll.u32 s1, $0xA;
	p0 =	sgt.u32 s1, $0x9  }
0x8: {  	s6 =	sor.u32 s5, s6;
	s7 =	smul.u32 $0x2800, s5;
	[smem:$0x7FF] =	sst s3  }
0x9: {  	s5 =	ssub.s32 $0x2, s5;
	s15 =	sshll.u32 @!p0 s1, $0x6;
	s6 =	smul.u32 $0xA00, s6  }
0xa: {  	_ =	strace $0x80000047;
	s9 =	sshrl.u32 s5, $0x1;
	s15 =	sor.u32 @!p0 $0x1C01, s15  }
0xb: {  	s7 =	sadd.s32 s8, s7;
	s9 =	ssub.s32 s5, s9;
	s5 =	sadd.s32 s8, s2  }
0xc: {  	v0 =	vlaneseq.u32;
	s6 =	sadd.s32 s6, s4;
	s7 =	sshrl.u32 s7, $0x3;
	s16 =	sshrl.u32 @!p0 s5, $0x3  }
0xd: {  	v1 =	vimm.f32 $0.0e+00;
	v6 =	vimm.f32 $1.000000000e+00;
	v2 =	vor.u32 $0x10, v0;
	s7 =	sadd.s32 s7, s4;
	s4 =	sadd.s32 $0x2410, s6;
	s6 =	sadd.s32 $0x2800, s8  }
0xe: {  	v3 =	vor.u32 $0x20, v0;
	v4 =	vor.u32 $0x30, v0;
	v5 =	vor.u32 $0x40, v0;
	s8 =	smax.u32 s9, $0x1;
	s9 =	simm.s32 $0x80;
	s7 =	sadd.s32 $0x16400, s7  }
.LBB2_1:
0xf: {  	[tilespmem:s3], [sflag:$0x1] =	stream.strided.gather [hbm4b:s4+s9], $0x2800, s10, s9, $0x38;
	[tilespmem:$0x5300] =	vst v63  }
0x10: {  	_ =	swait.ge [sflag:s11], $0x2800  }
0x11: {  	[sflag:s11] =	ssyncset.done $0x0  }
0x12: {  	s18 =	simm.s32 $0x0;
	s19 =	simm.s32 $0x200;
	[sflag:s11] =	ssyncadd.s32 $0xFFFFD800  }
.LBB2_2:
0x13: {  	p1 =	sne.s32 s19, $0x9E00;
	[tilespmem:s18+$0x2870] =	vst v1  }
0x14: {  	[tilespmem:s18+$0x2800] =	vst v1  }
0x15: {  	[tilespmem:s18+$0x2810] =	vst v1  }
.Ltmp0:
0x16: {  	[tilespmem:s18+$0x2820] =	vst v1;
	(pc) =	sbr.rel @p1 .LBB2_2-.Ltmp0, $4  }
0x17: {  	[tilespmem:s18+$0x2830] =	vst v1  }
0x18: {  	[tilespmem:s18+$0x2840] =	vst v1  }
0x19: {  	[tilespmem:s18+$0x2850] =	vst v1  }
0x1a: {  	[tilespmem:s18+$0x2860] =	vst v1;
	s18 =	sshra.s32 s19, $0x2;
	s19 =	sadd.s32 $0x200, s19  }
0x1b: {  	[tilespmem:s18+$0x2870] =	vst v1  }
0x1c: {  	[tilespmem:s18+$0x2800] =	vst v1  }
0x1d: {  	[tilespmem:s18+$0x2810] =	vst v1  }
0x1e: {  	[tilespmem:s18+$0x2820] =	vst v1  }
0x1f: {  	[tilespmem:s18+$0x2830] =	vst v1  }
0x20: {  	[tilespmem:s18+$0x2840] =	vst v1  }
0x21: {  	[tilespmem:s18+$0x2850] =	vst v1  }
0x22: {  	[tilespmem:s18+$0x2860] =	vst v1  }
0x23: {  	[tilespmem:$0x5000] =	vst v0  }
0x24: {  	[tilespmem:$0x5010] =	vst v2  }
0x25: {  	[tilespmem:$0x5020] =	vst v3  }
0x26: {  	[tilespmem:$0x5030] =	vst v4  }
0x27: {  	s18 =	simm.s32 @!p0 $0x1;
	[tilespmem:$0x5040] =	vst v5  }
0x28: {  	[spmem:s5] =	stream.linear.scatter @!p0 [tilespmem:s6], [sflag:$0x1], $0x400, $0x38;
	[tilespmem:$0x5300] =	vst v63  }
0x29: {  	_ =	swait.ge @!p0 [sflag:s18], $0x400  }
0x2a: {  	[sflag:s18] =	ssyncset.done @!p0 $0x0  }
0x2b: {  	s19 =	simm.s32 $0x0;
	[sflag:s18] =	ssyncadd.s32 @!p0 $0xFFFFFC00;
	s18 =	simm.s32 $0x40  }
.LBB2_4:
0x2c: {  	p1 =	sne.s32 s18, $0x9FC0;
	v7 =	vld [tilespmem:s19+$0x0];
	_ =	sdelay $0x3  }
.Ltmp1:
0x2d: {  	(pc) =	sbr.rel @p1 .LBB2_4-.Ltmp1, $2  }
0x2e: {  	_ =	sdelay $0x2  }
0x2f: {  	s19 =	sshra.s32 s18, $0x2;
	s18 =	sadd.s32 $0x40, s18;
	[tilespmem:v7+s12+$0x0] =	vst.idx.add.f32.msk $0xffff, v6  }
0x30: {  	v7 =	vld [tilespmem:s19+$0x0];
	_ =	sdelay $0x7  }
0x31: {  	[tilespmem:v7+s12+$0x0] =	vst.idx.add.f32.msk $0xffff, v6  }
0x32: {  	[bflag:$0x0] =	sbarrier.arrive $0xFFFF  }
0x33: {  	[spmem:s2] =	stream.indirect.scatter.add.f32 [tilespmem:s12], [sflag:$0x1], $0x80, s14, s13, $0xb8;
	[tilespmem:$0x5300] =	vst v63  }
0x34: {  	_ =	swait.ge [sflag:s11], $0x2800  }
0x35: {  	s17 =	sadd.s32 $0x1, s17;
	[sflag:s11] =	ssyncset.done $0x0  }
0x36: {  	p1 =	sne.s32 s17, s8;
	[sflag:s11] =	ssyncadd.s32 $0xFFFFD800  }
.Ltmp2:
0x37: {  	s18 =	simm.s32 @!p0 $0x1;
	[bflag:$0x0] =	sbarrier.arrive $0xFFFF;
	(pc) =	sbr.rel @p1 .LBB2_1-.Ltmp2, $4  }
0x38: {  	[hbm:s7], [sflag:s15] =	dma.local @!p0 [spmem:s16], $0x80  }
0x39: {  	_ =	swait.ge @!p0 [sflag:s18], $0x80  }
0x3a: {  	[sflag:s18] =	ssyncset.done @!p0 $0x0  }
0x3b: {  	[sflag:s18] =	ssyncadd.s32 @!p0 $0xFFFFFF80  }
0x3c: {  	_ =	sfence.sel $0x180000  }
0x3d: {  	[bflag:$0x0] =	sbarrier.arrive $0xFFFF  }
0x3e: {  	p0 =	sne.s32 s1, $0x0;
	_ =	strace $0x90000047  }
0x3f: {  	s0 =	sadd.s32 @!p0 $0x100000, s0;
	[bflag:$0x2] =	sbarrier.arrive $0xFFFF  }
0x40: {  	[sflag:s0] =	ssyncadd.tile.s32 @!p0 $0x1;
	_ =	shalt  }
.Lfunc_end2:
_tile_overlayer_lowered:
.L_overlay_start_2:
0x41: {  	(tag) =	ssettag $0x2  }
0x42: {  	s0 =	rddreg [dreg:$0x0];
	s2 =	stileid.u32  }
0x43: {  	s1 =	rddreg [dreg:$0x1];
	p0 =	sne.s32 s2, $0x0  }
0x44: {  	s3 =	rddreg [dreg:$0x2];
	[bflag:$0x3] =	sbarrier.arrive $0xFFFF;
	s2 =	simm.s32 @!p0 $0x1C01  }
0x45: {  	[timem:s3], [sflag:s2] =	dma.local @!p0 [hbm:s0], s1  }
0x46: {  	s0 =	simm.s32 @!p0 $0x1  }
0x47: {  	_ =	swait.ge @!p0 [sflag:s0], s1  }
0x48: {  	s1 =	ssub.s32 @!p0 $0x0, s1;
	[sflag:s0] =	ssyncset.done @!p0 $0x0  }
0x49: {  	[sflag:s0] =	ssyncadd.s32 @!p0 s1  }
0x4a: {  	[bflag:$0x3] =	sbarrier.arrive $0xFFFF  }
0x4b: {  	_ =	shalt  }

// kernel: kernel.9.cloned.1.call-start
scs
__scs_entry_jumppad:
0x0: {  	(pc) =	sbr.rel $0x88, $3  }
0x1: {  	(tag) =	ssettag $0x0;
	lr =	simm.s32 $0x1  }
0x2: {  	[smem:$0x3F9B] =	sst lr;
	_ =	strace $0xD0000000  }
0x3: {  	_ = 	snop  }
0x4: {  	_ = 	snop  }
0x5: {  	_ = 	snop  }
0x6: {  	_ = 	snop  }
0x7: {  	_ = 	snop  }
__scs_overlays_trampoline_lowered:
0x8: {  	[smem:$0x3FAA] =	sst s0  }
0x9: {  	[smem:$0x3FAB] =	sst s1  }
0xa: {  	[smem:$0x3FAC] =	sst s2  }
0xb: {  	[smem:$0x3FAD] =	sst s3  }
0xc: {  	[smem:$0x3FAE] =	sst s4  }
0xd: {  	[smem:$0x3FAF] =	sst s5  }
0xe: {  	[smem:$0x3FB0] =	sst s6  }
0xf: {  	[smem:$0x3FB1] =	sst s7  }
0x10: {  	[smem:$0x3FB2] =	sst s8  }
0x11: {  	[smem:$0x3FB3] =	sst s9;
	s0 =	simm.s32 @!p0 $0x0  }
0x12: {  	s1 =	sld [smem:$0x3F99];
	s0 =	simm.s32 @p0 $0x1  }
0x13: {  	[smem:$0x3FB4] =	sst s0;
	s0 =	simm.s32 @!p1 $0x0  }
0x14: {  	s2 =	sld [smem:$0x3F98];
	s0 =	simm.s32 @p1 $0x1  }
0x15: {  	[smem:$0x3FB5] =	sst s0;
	s0 =	simm.s32 @!p2 $0x0  }
0x16: {  	s3 =	sld [smem:$0x3FDB];
	s0 =	simm.s32 @p2 $0x1  }
0x17: {  	s4 =	simm.s32 $0x1BF5;
	[smem:$0x3FB7] =	sst s0  }
0x18: {  	s0 =	sld [smem:$0x3F9A];
	_ =	swait.ge [sflag:s4], $0x0  }
0x19: {  	s7 =	sld [smem:$0x3F9B]  }
0x1a: {  	s8 =	sadd.s32 $0xFFFFE003, lr  }
0x1b: {  	s9 =	sadd.s32 $0xFFFFFEF7, lr;
	s5 =	simm.s32 $0xFFFFFFFF;
	p2 =	slt.u32 s8, $0xFFFFF086  }
0x1c: {  	p1 =	slt.u32 s9, $0xF7A;
	s5 =	simm.s32 @!p2 $0x0  }
0x1d: {  	s5 =	simm.s32 @p1 $0x1;
	p0 =	seq.s32 s7, s2  }
0x1e: {  	s7 =	smul.u32 @!p0 $0xF7A, s2;
	p2 =	seq.s32 @!p0 s5, $0x0  }
0x1f: {  	s9 =	smul.u32 $0xF7A, s1;
	s8 =	simm.s32 @!p0 $0x1BF5;
	p2 =	por !p2, p0  }
0x20: {  	[sflag:s8] =	ssyncset.s32 @!p0 $0xFFFFF086;
	s6 =	sadd.s32 @!p0 s3, s7;
	s7 =	simm.s32 @!p0 $0x108  }
0x21: {  	s3 =	sadd.s32 s3, s9;
	s6 =	sadd.s32 @!p0 $0x88, s6;
	s7 =	simm.s32 @p2 $0x1082  }
0x22: {  	[simem:s7], [sflag:s8] =	dma.local @!p0 [hbm:s6], $0xF7A  }
0x23: {  	s9 =	sor.u32 $0xD0000000, s2;
	s6 =	simm.s32 $0x108;
	_ =	swait.ge @!p0 [sflag:s8], $0x0  }
0x24: {  	s3 =	sadd.s32 $0x88, s3;
	s6 =	simm.s32 @!p1 $0x1082;
	[sflag:s4] =	ssyncset.s32 $0xFFFFF086  }
0x25: {  	[simem:s6], [sflag:s4] =	dma.local [hbm:s3], $0xF7A  }
0x26: {  	[smem:$0x3F9B] =	sst s1;
	(tag) =	ssettag s2;
	_ =	strace s9  }
0x27: {  	s1 =	sld [smem:$0x3FAB]  }
0x28: {  	s2 =	sld [smem:$0x3FAC]  }
0x29: {  	s4 =	sld [smem:$0x3FAE]  }
0x2a: {  	p0 =	seq.s32 s5, $0x0;
	s5 =	sld [smem:$0x3FAF]  }
0x2b: {  	s6 =	sld [smem:$0x3FB0]  }
0x2c: {  	s7 =	sld [smem:$0x3FB1]  }
0x2d: {  	s3 =	simm.s32 $0x108;
	s8 =	sld [smem:$0x3FB2]  }
0x2e: {  	s3 =	simm.s32 @!p0 $0x1082;
	s9 =	sld [smem:$0x3FB3]  }
0x2f: {  	lr =	sadd.s32 s0, s3;
	s0 =	sld [smem:$0x3FAA]  }
0x30: {  	s3 =	sld [smem:$0x3FAD]  }
0x31: {  	[smem:$0x3FB6] =	sst s10  }
0x32: {  	s10 =	sld [smem:$0x3FB4];
	_ =	sdelay $0x3  }
0x33: {  	p0 =	seq.s32 s10, $0x1;
	s10 =	sld [smem:$0x3FB6];
	_ =	sdelay $0x3  }
0x34: {  	[smem:$0x3FB6] =	sst s10  }
0x35: {  	s10 =	sld [smem:$0x3FB5];
	_ =	sdelay $0x3  }
0x36: {  	p1 =	seq.s32 s10, $0x1;
	s10 =	sld [smem:$0x3FB6];
	_ =	sdelay $0x3  }
0x37: {  	[smem:$0x3FB6] =	sst s10  }
0x38: {  	s10 =	sld [smem:$0x3FB7]  }
0x39: {  	_ = 	snop;
	(pc) =	sbr.ind lr, $3  }
0x3a: {  	_ = 	snop  }
0x3b: {  	_ = 	snop  }
0x3c: {  	p2 =	seq.s32 s10, $0x1;
	s10 =	sld [smem:$0x3FB6]  }
0x3d: {  	_ =	shalt  }
0x3e: {  	_ =	shalt  }
0x3f: {  	_ =	shalt  }
0x40: {  	_ =	shalt  }
0x41: {  	_ =	shalt  }
0x42: {  	_ =	shalt  }
0x43: {  	_ =	shalt  }
0x44: {  	_ =	shalt  }
0x45: {  	_ =	shalt  }
0x46: {  	_ =	shalt  }
0x47: {  	_ =	shalt  }
0x48: {  	_ =	shalt  }
0x49: {  	_ =	shalt  }
0x4a: {  	_ =	shalt  }
0x4b: {  	_ =	shalt  }
0x4c: {  	_ =	shalt  }
0x4d: {  	_ =	shalt  }
0x4e: {  	_ =	shalt  }
0x4f: {  	_ =	shalt  }
0x50: {  	_ =	shalt  }
0x51: {  	_ =	shalt  }
0x52: {  	_ =	shalt  }
0x53: {  	_ =	shalt  }
0x54: {  	_ =	shalt  }
0x55: {  	_ =	shalt  }
0x56: {  	_ =	shalt  }
0x57: {  	_ =	shalt  }
0x58: {  	_ =	shalt  }
0x59: {  	_ =	shalt  }
0x5a: {  	_ =	shalt  }
0x5b: {  	_ =	shalt  }
0x5c: {  	_ =	shalt  }
0x5d: {  	_ =	shalt  }
0x5e: {  	_ =	shalt  }
0x5f: {  	_ =	shalt  }
0x60: {  	_ =	shalt  }
0x61: {  	_ =	shalt  }
0x62: {  	_ =	shalt  }
0x63: {  	_ =	shalt  }
0x64: {  	_ =	shalt  }
0x65: {  	_ =	shalt  }
0x66: {  	_ =	shalt  }
0x67: {  	_ =	shalt  }
0x68: {  	_ =	shalt  }
0x69: {  	_ =	shalt  }
0x6a: {  	_ =	shalt  }
0x6b: {  	_ =	shalt  }
0x6c: {  	_ =	shalt  }
0x6d: {  	_ =	shalt  }
0x6e: {  	_ =	shalt  }
0x6f: {  	_ =	shalt  }
0x70: {  	_ =	shalt  }
0x71: {  	_ =	shalt  }
0x72: {  	_ =	shalt  }
0x73: {  	_ =	shalt  }
0x74: {  	_ =	shalt  }
0x75: {  	_ =	shalt  }
0x76: {  	_ =	shalt  }
0x77: {  	_ =	shalt  }
0x78: {  	_ =	shalt  }
0x79: {  	_ =	shalt  }
0x7a: {  	_ =	shalt  }
0x7b: {  	_ =	shalt  }
0x7c: {  	_ =	shalt  }
0x7d: {  	_ =	shalt  }
0x7e: {  	_ =	shalt  }
0x7f: {  	_ =	shalt  }
0x80: {  	_ =	shalt  }
0x81: {  	_ =	shalt  }
0x82: {  	_ =	shalt  }
0x83: {  	_ =	shalt  }
0x84: {  	_ =	shalt  }
0x85: {  	_ =	shalt  }
0x86: {  	_ =	shalt  }
0x87: {  	_ =	shalt  }
.Lfunc_end0:
.L_simem_size_0:
called_computation.1_lowered:
.L_overlay_start_0:
0x88: {  	s2 =	sld [smem:$0x3FD9]  }
0x89: {  	s3 =	sld [smem:$0x3FFE];
	_ =	sdelay $0x1  }
0x8a: {  	s1 =	srdreg.scid  }
0x8b: {  	s0 =	sand.u32 $0x1, s1  }
0x8c: {  	s16 =	sshll.u32 s0, $0xA;
	s2 =	sadd.s32 s3, s2  }
0x8d: {  	s2 =	sadd.s32 s2, s16  }
0x8e: {  	[smem:$0x3FC2] =	sst s2  }
0x8f: {  	_ = 	snop  }
0x90: {  	(tm) =	ssettm $0x1  }
0x91: {  	s17 =	sld [smem:$0x3FFB];
	_ =	sdelay $0x3  }
0x92: {  	_ =	strace s17  }
0x93: {  	s2 =	sld [smem:$0x3FFC];
	_ =	sdelay $0x3  }
0x94: {  	_ =	strace s2  }
0x95: {  	s2 =	sld [smem:$0x3FFD];
	_ =	sdelay $0x3  }
0x96: {  	_ =	strace s2  }
0x97: {  	_ =	strace $0x8FFFFFFF  }
0x98: {  	s18 =	sld [smem:$0x3FDB];
	_ =	sdelay $0x1  }
0x99: {  	s19 =	simm.s32 $_scs_section_size  }
0x9a: {  	s4 =	simm.s32 $_size__tile_overlayer_lowered;
	s5 =	simm.s32 $_tile_overlayer_lowered  }
0x9b: {  	s22 =	simm.s32 $0x1BFF;
	s21 =	sshll.u32 s5, $0x1;
	s2 =	sadd.s32 s19, s18  }
0x9c: {  	s6 =	simm.s32 $0x0;
	s20 =	sshll.u32 s4, $0x1;
	s4 =	sadd.s32 s21, s2  }
0x9d: {  	[timem:s6], [sflag:s22] =	dma.local [hbm:s4], s20  }
0x9e: {  	_ =	swait.ge [sflag:s22], s20  }
0x9f: {  	s3 =	ssub.s32 $0x0, s20;
	[sflag:s22] =	ssyncset.done $0x0  }
0xa0: {  	[sflag:s22] =	ssyncadd.s32 s3;
	_ =	sdelay $0x1  }
0xa1: {  	s23 =	simm.s32 $0x1B8B  }
0xa2: {  	_ =	swait.ge [sflag:s23], $0x1  }
0xa3: {  	[sflag:s23] =	ssyncset.done $0x0  }
0xa4: {  	s25 =	simm.s32 $0x1B8E;
	s24 =	sld [smem:$0x3FFE];
	[sflag:s23] =	ssyncadd.s32 $0xFFFFFFFF  }
0xa5: {  	s26 =	simm.s32 $execute0_lowered;
	[smem:$0x3FD2] =	sst s25  }
0xa6: {  	s4 =	sshll.u32 s26, $0x1;
	_ =	strace $0x80000049;
	[dreg:$0x1] =	wrdreg $0xFFFFFFFF  }
0xa7: {  	s28 =	simm.s32 $_size_execute0_lowered;
	s2 =	sadd.s32 s2, s4;
	[dreg:$0x0] =	wrdreg $0x0  }
0xa8: {  	s4 =	sshll.u32 s28, $0x1;
	[dreg:$0x2] =	wrdreg s2  }
0xa9: {  	[dreg:$0x3] =	wrdreg s4  }
0xaa: {  	[dreg:$0x4] =	wrdreg $0xC0  }
0xab: {  	_ =	task [dreg:s6], $0x5FFFF  }
0xac: {  	[dreg:$0x1] =	wrdreg $0xFFFFFFFF  }
0xad: {  	[dreg:$0x0] =	wrdreg $0x60  }
0xae: {  	[dreg:$0x2] =	wrdreg s24  }
0xaf: {  	[dreg:$0x3] =	wrdreg $0xAD000  }
0xb0: {  	[dreg:$0x4] =	wrdreg $0x1ED000  }
0xb1: {  	[dreg:$0x5] =	wrdreg $0x9  }
0xb2: {  	_ =	task.clear_ibuf [dreg:s6], $0x6FFFF;
	_ =	strace $0x90000049  }
0xb3: {  	s29 =	simm.s32 $0x9;
	_ =	strace $0x8000004B  }
0xb4: {  	_ =	swait.ge [sflag:s29], $0x1  }
0xb5: {  	[sflag:s29] =	ssyncadd.s32 $0xFFFFFFFF  }
0xb6: {  	_ =	strace $0x9000004B  }
0xb7: {  	_ =	sfence  }
0xb8: {  	s30 =	sld [smem:$0x0];
	_ =	sdelay $0x2  }
0xb9: {  	s31 =	sshll.u32 s1, $0xD;
	s1 =	sshrl.u32 s1, $0x2  }
0xba: {  	s3 =	sand.u32 $0x4000, s31;
	s1 =	sadd.s32 s1, s30  }
0xbb: {  	s0 =	sor.u32 s3, s0;
	s1 =	sshll.u32 s1, $0x11  }
0xbc: {  	s0 =	sor.u32 s1, s0  }
0xbd: {  	s0 =	sadd.s32 $0x8F2B, s0  }
0xbe: {  	[sflag:s0] =	ssyncadd.remote.s32 $0x1  }
0xbf: {  	_ =	sfence.sel $0xFFFF  }
0xc0: {  	[dreg:$0x0] =	wrdreg $0xFFFFFFFF;
	(pc) =	sbr.abs _section_cstart, $3  }
0xc1: {  	[dreg:$0x1] =	wrdreg $0xFFFFFFFF  }
0xc2: {  	_ =	task.clear_ibuf [dreg:s6], $0x2FFFF;
	_ =	strace $0x9FFFFFFF  }
0xc3: {  	(tm) =	ssettm $0x7FFFFFFF  }
tec
execute0_lowered:
.L_overlay_start_1:
0x0: {  	(tag) =	ssettag $0x1  }
0x1: {  	s0 =	rddreg [dreg:$0x0]  }
0x2: {  	s1 =	rddreg [dreg:$0x1]  }
0x3: {  	s2 =	rddreg [dreg:$0x2];
	s3 =	srdreg.scid;
	s4 =	simm.s32 $0x0  }
0x4: {  	s16 =	stileid.u32;
	s28 =	simm.s32 $0x100;
	s29 =	simm.s32 $0x1  }
0x5: {  	s30 =	simm.s32 $0x80;
	s31 =	simm.s32 $0x2;
	s6 =	smul.u32 $0x14000, s16  }
0x6: {  	s3 =	sand.u32 $0x1, s3;
	[smem:$0x7FF] =	sst s4;
	s7 =	smul.u32 $0x500, s16  }
0x7: {  	s8 =	sadd.s32 $0x2400, s0;
	s10 =	sadd.s32 $0x3E400, s0;
	s11 =	smul.u32 $0x50000, s16  }
0x8: {  	s18 =	sshll.u32 s16, $0x1;
	s5 =	smul.u32 $0x140000, s3;
	_ =	strace $0x8000004A  }
0x9: {  	s9 =	sshll.u32 s3, $0x7;
	[dreg:$0x9] =	wrdreg s10;
	s10 =	smul.u32 $0x280, s16  }
0xa: {  	s15 =	ssub.s32 $0x2, s3;
	s14 =	sor.u32 s3, s18;
	s16 =	smul.u32 $0xA0, s16  }
0xb: {  	s3 =	smul.u32 $0x50, s3;
	s7 =	sor.u32 s9, s7;
	s17 =	sshrl.u32 s15, $0x1  }
0xc: {  	s19 =	sshrl.u32 s11, $0x2;
	s14 =	smul.u32 $0xA00, s14;
	s11 =	simm.s32 $0x6D00  }
0xd: {  	s6 =	sadd.s32 s6, s5;
	s5 =	sadd.s32 $0x16400, s0;
	s7 =	sshrl.u32 s7, $0x3  }
0xe: {  	s9 =	ssub.s32 s15, s17;
	s13 =	sadd.s32 $0x80, s10;
	s19 =	sadd.s32 s19, s1  }
0xf: {  	s22 =	sadd.s32 $0x100, s10;
	s15 =	sadd.s32 $0x180, s10;
	s18 =	sadd.s32 $0x200, s10  }
0x10: {  	s3 =	sadd.s32 s3, s16;
	s20 =	sshll.u32 s13, $0x7;
	s13 =	sadd.s32 s13, s2  }
0x11: {  	s6 =	sshrl.u32 s6, $0x3;
	s16 =	sadd.s32 s22, s2;
	[dreg:$0xf] =	wrdreg s13  }
0x12: {  	s25 =	sshll.u32 s18, $0x7;
	s18 =	sadd.s32 s18, s2;
	[dreg:$0x10] =	wrdreg s16  }
0x13: {  	s12 =	sshll.u32 s22, $0x7;
	s21 =	sadd.s32 s20, s1;
	[dreg:$0x12] =	wrdreg s18  }
0x14: {  	s17 =	sshll.u32 s15, $0x7;
	s23 =	sadd.s32 s12, s1;
	[dreg:$0xa] =	wrdreg s21  }
0x15: {  	s3 =	sshll.u32 s3, $0x5;
	s24 =	sadd.s32 s17, s1;
	[dreg:$0xb] =	wrdreg s23  }
0x16: {  	s6 =	sadd.s32 s6, s0;
	s26 =	sadd.s32 s25, s1;
	[dreg:$0xc] =	wrdreg s24  }
0x17: {  	s0 =	sadd.s32 s7, s0;
	s12 =	sadd.s32 s10, s2;
	[dreg:$0xd] =	wrdreg s26  }
0x18: {  	s17 =	sadd.s32 s15, s2;
	s16 =	sadd.s32 s3, s8;
	[dreg:$0xe] =	wrdreg s12  }
0x19: {  	s20 =	sadd.s32 s8, s14;
	s25 =	smax.u32 s9, $0x1;
	[dreg:$0x11] =	wrdreg s17  }
0x1a: {  	s3 =	simm.s32 $0x5;
	s8 =	simm.s32 $0x7;
	[dreg:$0x13] =	wrdreg s20  }
0x1b: {  	s9 =	simm.s32 $0x300;
	s7 =	sadd.s32 $0x20, s20;
	[dreg:$0x17] =	wrdreg s25  }
0x1c: {  	s10 =	simm.s32 $0x6;
	s21 =	sadd.s32 $0x80, s16;
	[dreg:$0x14] =	wrdreg s7  }
0x1d: {  	s13 =	simm.s32 $0x2C80;
	s6 =	sadd.s32 $0x3F400, s6;
	[dreg:$0x4] =	wrdreg s21  }
0x1e: {  	s14 =	simm.s32 $0x4;
	s22 =	sadd.s32 $0x40, s16;
	[dreg:$0x15] =	wrdreg s6  }
0x1f: {  	s15 =	simm.s32 $0x8;
	s0 =	sadd.s32 $0x3EA00, s0;
	[dreg:$0x5] =	wrdreg s22  }
0x20: {  	s23 =	simm.s32 $0x180;
	s24 =	simm.s32 $0x280;
	[dreg:$0x16] =	wrdreg s0  }
0x21: {  	s26 =	simm.s32 $0x380;
	s25 =	simm.s32 $0x2D00;
	[dreg:$0x6] =	wrdreg s23  }
0x22: {  	s17 =	simm.s32 $0x9;
	s20 =	simm.s32 $0x0;
	[dreg:$0x7] =	wrdreg s24  }
0x23: {  	s23 =	simm.s32 $0x400;
	s24 =	simm.s32 $0xB;
	[dreg:$0x8] =	wrdreg s26  }
0x24: {  	v0 =	vimm.f32 $0.0e+00;
	s26 =	simm.s32 $0x2C00;
	s0 =	simm.s32 $0x200;
	s6 =	simm.s32 $0x3  }
.LBB2_1:
0x25: {  	s7 =	rddreg [dreg:$0x9]  }
0x26: {  	[tilespmem:s23], [sflag:$0xB] =	stream.linear.gather [hbm4b:s7+s4], $0x2800, $0x38;
	[tilespmem:$0x1EF80] =	vst v63  }
0x27: {  	_ =	swait.ge [sflag:s24], $0x2800  }
0x28: {  	[sflag:s24] =	ssyncset.done $0x0  }
0x29: {  	s21 =	simm.s32 $0x0;
	s22 =	simm.s32 $0x200;
	[sflag:s24] =	ssyncadd.s32 $0xFFFFD800  }
.LBB2_2:
0x2a: {  	p0 =	sne.s32 s22, $0xFE00;
	[tilespmem:s21+$0x2D70] =	vst v0  }
0x2b: {  	[tilespmem:s21+$0x2D00] =	vst v0  }
0x2c: {  	[tilespmem:s21+$0x2D10] =	vst v0  }
.Ltmp0:
0x2d: {  	[tilespmem:s21+$0x2D20] =	vst v0;
	(pc) =	sbr.rel @p0 .LBB2_2-.Ltmp0, $4  }
0x2e: {  	[tilespmem:s21+$0x2D30] =	vst v0  }
0x2f: {  	[tilespmem:s21+$0x2D40] =	vst v0  }
0x30: {  	[tilespmem:s21+$0x2D50] =	vst v0  }
0x31: {  	[tilespmem:s21+$0x2D60] =	vst v0;
	s21 =	sshra.s32 s22, $0x2;
	s22 =	sadd.s32 $0x200, s22  }
0x32: {  	[tilespmem:s21+$0x2D70] =	vst v0  }
0x33: {  	[tilespmem:s21+$0x2D00] =	vst v0  }
0x34: {  	[tilespmem:s21+$0x2D10] =	vst v0  }
0x35: {  	[tilespmem:s21+$0x2D20] =	vst v0  }
0x36: {  	[tilespmem:s21+$0x2D30] =	vst v0  }
0x37: {  	[tilespmem:s21+$0x2D40] =	vst v0  }
0x38: {  	[tilespmem:s21+$0x2D50] =	vst v0  }
0x39: {  	[tilespmem:s21+$0x2D60] =	vst v0  }
0x3a: {  	[spmem:s19] =	stream.linear.scatter [tilespmem:s25], [sflag:$0xB], $0x4000, $0x38;
	[tilespmem:$0x1EF80] =	vst v63  }
0x3b: {  	_ =	swait.ge [sflag:s24], $0x4000  }
0x3c: {  	[sflag:s24] =	ssyncset.done $0x0  }
0x3d: {  	s7 =	rddreg [dreg:$0xa];
	[sflag:s24] =	ssyncadd.s32 $0xFFFFC000  }
0x3e: {  	[spmem:s7] =	stream.linear.scatter [tilespmem:s25], [sflag:$0xB], $0x4000, $0x38;
	[tilespmem:$0x1EF80] =	vst v63  }
0x3f: {  	_ =	swait.ge [sflag:s24], $0x4000  }
0x40: {  	[sflag:s24] =	ssyncset.done $0x0  }
0x41: {  	s12 =	smov.u32 s19;
	s19 =	rddreg [dreg:$0xb];
	[sflag:s24] =	ssyncadd.s32 $0xFFFFC000  }
0x42: {  	[spmem:s19] =	stream.linear.scatter [tilespmem:s25], [sflag:$0xB], $0x4000, $0x38;
	[tilespmem:$0x1EF80] =	vst v63  }
0x43: {  	_ =	swait.ge [sflag:s24], $0x4000  }
0x44: {  	[sflag:s24] =	ssyncset.done $0x0  }
0x45: {  	s21 =	rddreg [dreg:$0xc];
	[sflag:s24] =	ssyncadd.s32 $0xFFFFC000  }
0x46: {  	[spmem:s21] =	stream.linear.scatter [tilespmem:s25], [sflag:$0xB], $0x4000, $0x38;
	[tilespmem:$0x1EF80] =	vst v63  }
0x47: {  	_ =	swait.ge [sflag:s24], $0x4000  }
0x48: {  	[sflag:s24] =	ssyncset.done $0x0  }
0x49: {  	s22 =	rddreg [dreg:$0xd];
	[sflag:s24] =	ssyncadd.s32 $0xFFFFC000  }
0x4a: {  	[spmem:s22] =	stream.linear.scatter [tilespmem:s25], [sflag:$0xB], $0x4000, $0x38;
	[tilespmem:$0x1EF80] =	vst v63  }
0x4b: {  	_ =	swait.ge [sflag:s24], $0x4000  }
0x4c: {  	[sflag:s24] =	ssyncset.done $0x0  }
0x4d: {  	[sflag:s24] =	ssyncadd.s32 $0xFFFFC000  }
0x4e: {  	[tilespmem:$0x2C00] =	vst v0  }
0x4f: {  	[tilespmem:$0x2C10] =	vst v0  }
0x50: {  	[tilespmem:$0x2C20] =	vst v0  }
0x51: {  	[tilespmem:$0x2C30] =	vst v0  }
0x52: {  	[tilespmem:$0x2C40] =	vst v0  }
0x53: {  	[tilespmem:$0x2C50] =	vst v0  }
0x54: {  	[tilespmem:$0x2C60] =	vst v0  }
0x55: {  	s18 =	rddreg [dreg:$0xe];
	[tilespmem:$0x2C70] =	vst v0  }
0x56: {  	[spmem:s18] =	stream.linear.scatter [tilespmem:s26], [sflag:$0xB], $0x80, $0x38;
	[tilespmem:$0x1EF80] =	vst v63  }
0x57: {  	_ =	swait.ge [sflag:s24], $0x80  }
0x58: {  	[sflag:s24] =	ssyncset.done $0x0  }
0x59: {  	s19 =	rddreg [dreg:$0xf];
	[sflag:s24] =	ssyncadd.s32 $0xFFFFFF80  }
0x5a: {  	[spmem:s19] =	stream.linear.scatter [tilespmem:s26], [sflag:$0xB], $0x80, $0x38;
	[tilespmem:$0x1EF80] =	vst v63  }
0x5b: {  	_ =	swait.ge [sflag:s24], $0x80  }
0x5c: {  	[sflag:s24] =	ssyncset.done $0x0  }
0x5d: {  	s21 =	rddreg [dreg:$0x10];
	[sflag:s24] =	ssyncadd.s32 $0xFFFFFF80  }
0x5e: {  	[spmem:s21] =	stream.linear.scatter [tilespmem:s26], [sflag:$0xB], $0x80, $0x38;
	[tilespmem:$0x1EF80] =	vst v63  }
0x5f: {  	_ =	swait.ge [sflag:s24], $0x80  }
0x60: {  	[sflag:s24] =	ssyncset.done $0x0  }
0x61: {  	s22 =	rddreg [dreg:$0x11];
	[sflag:s24] =	ssyncadd.s32 $0xFFFFFF80  }
0x62: {  	[spmem:s22] =	stream.linear.scatter [tilespmem:s26], [sflag:$0xB], $0x80, $0x38;
	[tilespmem:$0x1EF80] =	vst v63  }
0x63: {  	_ =	swait.ge [sflag:s24], $0x80  }
0x64: {  	[sflag:s24] =	ssyncset.done $0x0  }
0x65: {  	s18 =	rddreg [dreg:$0x12];
	[sflag:s24] =	ssyncadd.s32 $0xFFFFFF80  }
0x66: {  	[spmem:s18] =	stream.linear.scatter [tilespmem:s26], [sflag:$0xB], $0x80, $0x38;
	[tilespmem:$0x1EF80] =	vst v63  }
0x67: {  	_ =	swait.ge [sflag:s24], $0x80  }
0x68: {  	[sflag:s24] =	ssyncset.done $0x0  }
0x69: {  	[sflag:s24] =	ssyncadd.s32 $0xFFFFFF80  }
0x6a: {  	[bflag:$0x0] =	sbarrier.arrive $0xFFFF  }
0x6b: {  	s21 =	simm.s32 $0x0;
	s19 =	rddreg [dreg:$0x13]  }
0x6c: {  	[tilespmem:s21], [sflag:$0x1] =	stream.linear.gather [hbm4b:s19+s21], $0x100, $0x38;
	[tilespmem:$0x1EF80] =	vst v63  }
0x6d: {  	s22 =	rddreg [dreg:$0x14]  }
0x6e: {  	[tilespmem:s28], [sflag:$0x2] =	stream.linear.gather [hbm4b:s22+s21], $0x100, $0x38;
	[tilespmem:$0x1EF80] =	vst v63  }
0x6f: {  	_ =	swait.ge [sflag:s29], $0x100  }
0x70: {  	[sflag:s29] =	ssyncset.done $0x0  }
0x71: {  	[sflag:s29] =	ssyncadd.s32 $0xFFFFFF00  }
0x72: {  	[tilespmem:s25], [sflag:$0x5] =	stream.indirect.gather [hbm4b:s5+s30], $0x80, s21, s30, $0xb8;
	[tilespmem:$0x1EF80] =	vst v63  }
.LBB2_4:
0x73: {  	_ =	swait.ge [sflag:s31], $0x100  }
0x74: {  	p0 =	sne.s32 s21, $0x0;
	[sflag:s31] =	ssyncset.done $0x0  }
0x75: {  	s22 =	simm.s32 @p0 $0x8;
	[sflag:s31] =	ssyncadd.s32 $0xFFFFFF00  }
0x76: {  	_ =	swait.ge @p0 [sflag:s22], $0x4000  }
0x77: {  	s18 =	simm.s32 @p0 $0x100;
	[sflag:s22] =	ssyncset.done @p0 $0x0  }
0x78: {  	s19 =	simm.s32 @p0 $0x6D00;
	[sflag:s22] =	ssyncadd.s32 @p0 $0xFFFFC000;
	s22 =	simm.s32 @p0 $0x80  }
0x79: {  	[tilespmem:s19], [sflag:$0x6] =	stream.indirect.gather @p0 [hbm4b:s5+s22], $0x80, s18, s22, $0xb8;
	[tilespmem:$0x1EF80] =	vst v63  }
0x7a: {  	s18 =	simm.s32 @p0 $0x9  }
0x7b: {  	_ =	swait.ge @p0 [sflag:s18], $0x80  }
0x7c: {  	s7 =	simm.s32 @!p0 $0x6D00;
	s19 =	simm.s32 @!p0 $0x80;
	[sflag:s18] =	ssyncset.done @p0 $0x0  }
0x7d: {  	s22 =	simm.s32 @!p0 $0x100;
	[sflag:s18] =	ssyncadd.s32 @p0 $0xFFFFFF80;
	s18 =	rddreg [dreg:$0x5]  }
0x7e: {  	[tilespmem:s7], [sflag:$0x6] =	stream.indirect.gather @!p0 [hbm4b:s5+s19], $0x80, s22, s19, $0xb8;
	[tilespmem:$0x1EF80] =	vst v63  }
0x7f: {  	s18 =	sadd.s32 s21, s18  }
0x80: {  	[tilespmem:s0], [sflag:$0x3] =	stream.linear.gather [hbm4b:s18+s4], $0x100, $0x38;
	[tilespmem:$0x1EF80] =	vst v63  }
0x81: {  	v1 =	vld [tilespmem:$0x80];
	_ =	sdelay $0x5  }
0x82: {  	v2 =	vld [tilespmem:$0x90];
	_ =	sdelay $0x1  }
0x83: {  	v1 =	vld.idx.msk [tilespmem:v1+s23+$0x0], $0xffff;
	_ =	sdelay $0x3  }
0x84: {  	v3 =	vld [tilespmem:$0xA0]  }
0x85: {  	[tilespmem:$0x2C00] =	vst v1  }
0x86: {  	v1 =	vld.idx.msk [tilespmem:v2+s23+$0x0], $0xffff;
	_ =	sdelay $0x3  }
0x87: {  	v2 =	vld [tilespmem:$0xB0]  }
0x88: {  	[tilespmem:$0x2C10] =	vst v1  }
0x89: {  	v1 =	vld.idx.msk [tilespmem:v3+s23+$0x0], $0xffff;
	_ =	sdelay $0x3  }
0x8a: {  	v3 =	vld [tilespmem:$0xC0]  }
0x8b: {  	[tilespmem:$0x2C20] =	vst v1  }
0x8c: {  	v1 =	vld.idx.msk [tilespmem:v2+s23+$0x0], $0xffff;
	_ =	sdelay $0x3  }
0x8d: {  	v2 =	vld [tilespmem:$0xD0]  }
0x8e: {  	[tilespmem:$0x2C30] =	vst v1  }
0x8f: {  	v1 =	vld.idx.msk [tilespmem:v3+s23+$0x0], $0xffff;
	_ =	sdelay $0x3  }
0x90: {  	v3 =	vld [tilespmem:$0xE0]  }
0x91: {  	[tilespmem:$0x2C40] =	vst v1  }
0x92: {  	v1 =	vld.idx.msk [tilespmem:v2+s23+$0x0], $0xffff;
	_ =	sdelay $0x3  }
0x93: {  	v2 =	vld [tilespmem:$0xF0]  }
0x94: {  	[tilespmem:$0x2C50] =	vst v1  }
0x95: {  	v1 =	vld.idx.msk [tilespmem:v3+s23+$0x0], $0xffff;
	_ =	sdelay $0x4  }
0x96: {  	[tilespmem:$0x2C60] =	vst v1  }
0x97: {  	v1 =	vld.idx.msk [tilespmem:v2+s23+$0x0], $0xffff;
	_ =	sdelay $0x4  }
0x98: {  	[tilespmem:$0x2C70] =	vst v1  }
0x99: {  	_ =	swait.ge [sflag:s3], $0x4000  }
0x9a: {  	[sflag:s3] =	ssyncset.done $0x0  }
0x9b: {  	[sflag:s3] =	ssyncadd.s32 $0xFFFFC000  }
0x9c: {  	[spmem:s1] =	stream.indirect.scatter.add.f32 [tilespmem:s25], [sflag:$0x7], $0x80, s30, s30, $0xb8;
	[tilespmem:$0x1EF80] =	vst v63  }
0x9d: {  	_ = 	snop  }
0x9e: {  	[spmem:s2] =	stream.indirect.scatter.add.f32 [tilespmem:s26], [sflag:$0x9], $0x1, s4, s30, $0xb8;
	[tilespmem:$0x1EF80] =	vst v63  }
0x9f: {  	_ =	swait.ge [sflag:s6], $0x100  }
0xa0: {  	[sflag:s6] =	ssyncset.done $0x0  }
0xa1: {  	[sflag:s6] =	ssyncadd.s32 $0xFFFFFF00  }
0xa2: {  	_ =	swait.ge [sflag:s8], $0x4000  }
0xa3: {  	p0 =	seq.s32 s21, $0x0;
	[sflag:s8] =	ssyncset.done $0x0  }
0xa4: {  	s7 =	simm.s32 @!p0 $0xA;
	[sflag:s8] =	ssyncadd.s32 $0xFFFFC000  }
0xa5: {  	[tilespmem:s25], [sflag:$0x5] =	stream.indirect.gather [hbm4b:s5+s30], $0x80, s0, s30, $0xb8;
	[tilespmem:$0x1EF80] =	vst v63  }
0xa6: {  	_ =	swait.ge @!p0 [sflag:s7], $0x80  }
0xa7: {  	s19 =	sadd.s32 s21, s16;
	[sflag:s7] =	ssyncset.done @!p0 $0x0  }
0xa8: {  	s22 =	sadd.s32 $0x60, s19;
	[sflag:s7] =	ssyncadd.s32 @!p0 $0xFFFFFF80  }
0xa9: {  	[tilespmem:s9], [sflag:$0x4] =	stream.linear.gather [hbm4b:s22+s4], $0x100, $0x38;
	[tilespmem:$0x1EF80] =	vst v63  }
0xaa: {  	v1 =	vld [tilespmem:$0x180];
	_ =	sdelay $0x5  }
0xab: {  	v2 =	vld [tilespmem:$0x190];
	_ =	sdelay $0x1  }
0xac: {  	v1 =	vld.idx.msk [tilespmem:v1+s23+$0x0], $0xffff;
	_ =	sdelay $0x3  }
0xad: {  	v3 =	vld [tilespmem:$0x1A0]  }
0xae: {  	[tilespmem:$0x2C80] =	vst v1  }
0xaf: {  	v1 =	vld.idx.msk [tilespmem:v2+s23+$0x0], $0xffff;
	_ =	sdelay $0x3  }
0xb0: {  	v2 =	vld [tilespmem:$0x1B0]  }
0xb1: {  	[tilespmem:$0x2C90] =	vst v1  }
0xb2: {  	v1 =	vld.idx.msk [tilespmem:v3+s23+$0x0], $0xffff;
	_ =	sdelay $0x3  }
0xb3: {  	v3 =	vld [tilespmem:$0x1C0]  }
0xb4: {  	[tilespmem:$0x2CA0] =	vst v1  }
0xb5: {  	v1 =	vld.idx.msk [tilespmem:v2+s23+$0x0], $0xffff;
	_ =	sdelay $0x3  }
0xb6: {  	v2 =	vld [tilespmem:$0x1D0]  }
0xb7: {  	[tilespmem:$0x2CB0] =	vst v1  }
0xb8: {  	v1 =	vld.idx.msk [tilespmem:v3+s23+$0x0], $0xffff;
	_ =	sdelay $0x3  }
0xb9: {  	v3 =	vld [tilespmem:$0x1E0]  }
0xba: {  	[tilespmem:$0x2CC0] =	vst v1  }
0xbb: {  	v1 =	vld.idx.msk [tilespmem:v2+s23+$0x0], $0xffff;
	_ =	sdelay $0x3  }
0xbc: {  	v2 =	vld [tilespmem:$0x1F0]  }
0xbd: {  	[tilespmem:$0x2CD0] =	vst v1  }
0xbe: {  	v1 =	vld.idx.msk [tilespmem:v3+s23+$0x0], $0xffff;
	_ =	sdelay $0x4  }
0xbf: {  	[tilespmem:$0x2CE0] =	vst v1  }
0xc0: {  	v1 =	vld.idx.msk [tilespmem:v2+s23+$0x0], $0xffff;
	_ =	sdelay $0x4  }
0xc1: {  	[tilespmem:$0x2CF0] =	vst v1  }
0xc2: {  	_ =	swait.ge [sflag:s10], $0x4000  }
0xc3: {  	[sflag:s10] =	ssyncset.done $0x0  }
0xc4: {  	s18 =	rddreg [dreg:$0x6];
	[sflag:s10] =	ssyncadd.s32 $0xFFFFC000  }
0xc5: {  	[spmem:s1] =	stream.indirect.scatter.add.f32 [tilespmem:s11], [sflag:$0x8], $0x80, s18, s30, $0xb8;
	[tilespmem:$0x1EF80] =	vst v63  }
0xc6: {  	_ = 	snop  }
0xc7: {  	[spmem:s2] =	stream.indirect.scatter.add.f32 [tilespmem:s13], [sflag:$0xA], $0x1, s28, s30, $0xb8;
	[tilespmem:$0x1EF80] =	vst v63  }
0xc8: {  	_ =	swait.ge [sflag:s14], $0x100  }
0xc9: {  	[sflag:s14] =	ssyncset.done $0x0  }
0xca: {  	[sflag:s14] =	ssyncadd.s32 $0xFFFFFF00  }
0xcb: {  	_ =	swait.ge [sflag:s15], $0x4000  }
0xcc: {  	[sflag:s15] =	ssyncset.done $0x0  }
0xcd: {  	[sflag:s15] =	ssyncadd.s32 $0xFFFFC000  }
0xce: {  	[tilespmem:s11], [sflag:$0x6] =	stream.indirect.gather [hbm4b:s5+s30], $0x80, s9, s30, $0xb8;
	[tilespmem:$0x1EF80] =	vst v63  }
0xcf: {  	_ =	swait.ge [sflag:s17], $0x80  }
0xd0: {  	p0 =	seq.s32 s21, $0x980;
	s7 =	rddreg [dreg:$0x4];
	[sflag:s17] =	ssyncset.done $0x0  }
0xd1: {  	s18 =	simm.s32 @!p0 $0x0;
	[sflag:s17] =	ssyncadd.s32 $0xFFFFFF80;
	s7 =	sadd.s32 @!p0 s21, s7  }
0xd2: {  	[tilespmem:s18], [sflag:$0x1] =	stream.linear.gather @!p0 [hbm4b:s7+s18], $0x100, $0x38;
	[tilespmem:$0x1EF80] =	vst v63  }
0xd3: {  	v1 =	vld [tilespmem:$0x280];
	_ =	sdelay $0x5  }
0xd4: {  	v2 =	vld [tilespmem:$0x290];
	_ =	sdelay $0x1  }
0xd5: {  	v1 =	vld.idx.msk [tilespmem:v1+s23+$0x0], $0xffff;
	_ =	sdelay $0x3  }
0xd6: {  	v3 =	vld [tilespmem:$0x2A0]  }
0xd7: {  	[tilespmem:$0x2C00] =	vst v1  }
0xd8: {  	v1 =	vld.idx.msk [tilespmem:v2+s23+$0x0], $0xffff;
	_ =	sdelay $0x3  }
0xd9: {  	v2 =	vld [tilespmem:$0x2B0]  }
0xda: {  	[tilespmem:$0x2C10] =	vst v1  }
0xdb: {  	v1 =	vld.idx.msk [tilespmem:v3+s23+$0x0], $0xffff;
	_ =	sdelay $0x3  }
0xdc: {  	v3 =	vld [tilespmem:$0x2C0]  }
0xdd: {  	[tilespmem:$0x2C20] =	vst v1  }
0xde: {  	v1 =	vld.idx.msk [tilespmem:v2+s23+$0x0], $0xffff;
	_ =	sdelay $0x3  }
0xdf: {  	v2 =	vld [tilespmem:$0x2D0]  }
0xe0: {  	[tilespmem:$0x2C30] =	vst v1  }
0xe1: {  	v1 =	vld.idx.msk [tilespmem:v3+s23+$0x0], $0xffff;
	_ =	sdelay $0x3  }
0xe2: {  	v3 =	vld [tilespmem:$0x2E0]  }
0xe3: {  	[tilespmem:$0x2C40] =	vst v1  }
0xe4: {  	v1 =	vld.idx.msk [tilespmem:v2+s23+$0x0], $0xffff;
	_ =	sdelay $0x3  }
0xe5: {  	v2 =	vld [tilespmem:$0x2F0]  }
0xe6: {  	[tilespmem:$0x2C50] =	vst v1  }
0xe7: {  	v1 =	vld.idx.msk [tilespmem:v3+s23+$0x0], $0xffff;
	_ =	sdelay $0x4  }
0xe8: {  	[tilespmem:$0x2C60] =	vst v1  }
0xe9: {  	v1 =	vld.idx.msk [tilespmem:v2+s23+$0x0], $0xffff;
	_ =	sdelay $0x4  }
0xea: {  	[tilespmem:$0x2C70] =	vst v1  }
0xeb: {  	_ =	swait.ge [sflag:s3], $0x4000  }
0xec: {  	[sflag:s3] =	ssyncset.done $0x0  }
0xed: {  	p0 =	sne.s32 s21, $0x980;
	s19 =	rddreg [dreg:$0x7];
	[sflag:s3] =	ssyncadd.s32 $0xFFFFC000  }
0xee: {  	[spmem:s1] =	stream.indirect.scatter.add.f32 [tilespmem:s25], [sflag:$0x7], $0x80, s19, s30, $0xb8;
	[tilespmem:$0x1EF80] =	vst v63  }
0xef: {  	s7 =	simm.s32 @p0 $0x1  }
0xf0: {  	[spmem:s2] =	stream.indirect.scatter.add.f32 [tilespmem:s26], [sflag:$0x9], $0x1, s0, s30, $0xb8;
	[tilespmem:$0x1EF80] =	vst v63  }
0xf1: {  	_ =	swait.ge @p0 [sflag:s7], $0x100  }
0xf2: {  	[sflag:s7] =	ssyncset.done @p0 $0x0  }
0xf3: {  	[sflag:s7] =	ssyncadd.s32 @p0 $0xFFFFFF00;
	s7 =	simm.s32 @p0 $0x7  }
0xf4: {  	_ =	swait.ge @p0 [sflag:s7], $0x4000  }
0xf5: {  	s18 =	simm.s32 @p0 $0x0;
	[sflag:s7] =	ssyncset.done @p0 $0x0  }
0xf6: {  	s19 =	simm.s32 @p0 $0x2D00;
	[sflag:s7] =	ssyncadd.s32 @p0 $0xFFFFC000;
	s7 =	simm.s32 @p0 $0x80  }
0xf7: {  	[tilespmem:s19], [sflag:$0x5] =	stream.indirect.gather @p0 [hbm4b:s5+s7], $0x80, s18, s7, $0xb8;
	[tilespmem:$0x1EF80] =	vst v63  }
0xf8: {  	s7 =	simm.s32 @p0 $0xA  }
0xf9: {  	_ =	swait.ge @p0 [sflag:s7], $0x80  }
0xfa: {  	s19 =	sadd.s32 @p0 s21, s16;
	[sflag:s7] =	ssyncset.done @p0 $0x0  }
0xfb: {  	[sflag:s7] =	ssyncadd.s32 @p0 $0xFFFFFF80;
	s7 =	sadd.s32 @p0 $0xA0, s19;
	s19 =	simm.s32 @p0 $0x100  }
0xfc: {  	[tilespmem:s19], [sflag:$0x2] =	stream.linear.gather @p0 [hbm4b:s7+s18], $0x100, $0x38;
	[tilespmem:$0x1EF80] =	vst v63  }
0xfd: {  	s7 =	simm.s32 @!p0 $0xA  }
0xfe: {  	_ =	swait.ge @!p0 [sflag:s7], $0x80  }
0xff: {  	[sflag:s7] =	ssyncset.done @!p0 $0x0  }
0x100: {  	[sflag:s7] =	ssyncadd.s32 @!p0 $0xFFFFFF80  }
0x101: {  	v1 =	vld [tilespmem:$0x380];
	_ =	sdelay $0x5  }
0x102: {  	v2 =	vld [tilespmem:$0x390];
	_ =	sdelay $0x1  }
0x103: {  	v1 =	vld.idx.msk [tilespmem:v1+s23+$0x0], $0xffff;
	_ =	sdelay $0x3  }
0x104: {  	v3 =	vld [tilespmem:$0x3A0]  }
0x105: {  	[tilespmem:$0x2C80] =	vst v1  }
0x106: {  	v1 =	vld.idx.msk [tilespmem:v2+s23+$0x0], $0xffff;
	_ =	sdelay $0x3  }
0x107: {  	v2 =	vld [tilespmem:$0x3B0]  }
0x108: {  	[tilespmem:$0x2C90] =	vst v1  }
0x109: {  	v1 =	vld.idx.msk [tilespmem:v3+s23+$0x0], $0xffff;
	_ =	sdelay $0x3  }
0x10a: {  	v3 =	vld [tilespmem:$0x3C0]  }
0x10b: {  	[tilespmem:$0x2CA0] =	vst v1  }
0x10c: {  	v1 =	vld.idx.msk [tilespmem:v2+s23+$0x0], $0xffff;
	_ =	sdelay $0x3  }
0x10d: {  	v2 =	vld [tilespmem:$0x3D0]  }
0x10e: {  	[tilespmem:$0x2CB0] =	vst v1  }
0x10f: {  	v1 =	vld.idx.msk [tilespmem:v3+s23+$0x0], $0xffff;
	_ =	sdelay $0x3  }
0x110: {  	v3 =	vld [tilespmem:$0x3E0]  }
0x111: {  	[tilespmem:$0x2CC0] =	vst v1  }
0x112: {  	v1 =	vld.idx.msk [tilespmem:v2+s23+$0x0], $0xffff;
	_ =	sdelay $0x3  }
0x113: {  	v2 =	vld [tilespmem:$0x3F0]  }
0x114: {  	[tilespmem:$0x2CD0] =	vst v1  }
0x115: {  	v1 =	vld.idx.msk [tilespmem:v3+s23+$0x0], $0xffff;
	_ =	sdelay $0x4  }
0x116: {  	[tilespmem:$0x2CE0] =	vst v1  }
0x117: {  	v1 =	vld.idx.msk [tilespmem:v2+s23+$0x0], $0xffff;
	_ =	sdelay $0x4  }
0x118: {  	s21 =	sadd.s32 $0x80, s21;
	[tilespmem:$0x2CF0] =	vst v1  }
0x119: {  	p0 =	sne.s32 s21, $0xA00;
	_ =	swait.ge [sflag:s10], $0x4000  }
.Ltmp1:
0x11a: {  	[sflag:s10] =	ssyncset.done $0x0;
	(pc) =	sbr.rel @p0 .LBB2_4-.Ltmp1, $4  }
0x11b: {  	s22 =	rddreg [dreg:$0x8];
	[sflag:s10] =	ssyncadd.s32 $0xFFFFC000  }
0x11c: {  	[spmem:s1] =	stream.indirect.scatter.add.f32 [tilespmem:s11], [sflag:$0x8], $0x80, s22, s30, $0xb8;
	[tilespmem:$0x1EF80] =	vst v63  }
0x11d: {  	_ = 	snop  }
0x11e: {  	[spmem:s2] =	stream.indirect.scatter.add.f32 [tilespmem:s13], [sflag:$0xA], $0x1, s9, s30, $0xb8;
	[tilespmem:$0x1EF80] =	vst v63  }
0x11f: {  	_ =	swait.ge [sflag:s8], $0x4000  }
0x120: {  	[sflag:s8] =	ssyncset.done $0x0  }
0x121: {  	[sflag:s8] =	ssyncadd.s32 $0xFFFFC000  }
0x122: {  	_ =	swait.ge [sflag:s15], $0x4000  }
0x123: {  	[sflag:s15] =	ssyncset.done $0x0  }
0x124: {  	[sflag:s15] =	ssyncadd.s32 $0xFFFFC000  }
0x125: {  	_ =	swait.ge [sflag:s17], $0x80  }
0x126: {  	[sflag:s17] =	ssyncset.done $0x0  }
0x127: {  	s7 =	simm.s32 $0xA;
	[sflag:s17] =	ssyncadd.s32 $0xFFFFFF80  }
0x128: {  	_ =	swait.ge [sflag:s7], $0x80  }
0x129: {  	[sflag:s7] =	ssyncset.done $0x0  }
0x12a: {  	s21 =	stileid.u32;
	[sflag:s7] =	ssyncadd.s32 $0xFFFFFF80  }
0x12b: {  	s7 =	sshll.u32 s21, $0x6;
	[bflag:$0x0] =	sbarrier.arrive $0xFFFF  }
0x12c: {  	s18 =	sshrl.u32 s12, $0x3;
	s7 =	sor.u32 $0x1C0B, s7;
	s22 =	rddreg [dreg:$0x15]  }
0x12d: {  	[hbm:s22], [sflag:s7] =	dma.local [spmem:s18], $0x2800  }
0x12e: {  	_ =	swait.ge [sflag:s24], $0x2800  }
0x12f: {  	s19 =	smov.u32 s12;
	s21 =	rddreg [dreg:$0xe]  }
0x130: {  	s22 =	simm.s32 $0x10;
	[sflag:s24] =	ssyncset.done $0x0;
	s12 =	rddreg [dreg:$0x16]  }
0x131: {  	[sflag:s24] =	ssyncadd.s32 $0xFFFFD800;
	s18 =	sshrl.u32 s21, $0x3;
	s21 =	simm.s32 $0x20  }
0x132: {  	[hbm:s12@s21], [sflag:s7] =	dma.strided [spmem:s18@s22], $0x50, s29, $0x10   }
0x133: {  	_ =	swait.ge [sflag:s24], $0x50  }
0x134: {  	s20 =	sadd.s32 $0x1, s20;
	s22 =	rddreg [dreg:$0x17]  }
0x135: {  	p0 =	sne.s32 s20, s22  }
.Ltmp2:
0x136: {  	_ = 	snop;
	(pc) =	sbr.rel @p0 .LBB2_1-.Ltmp2, $3  }
0x137: {  	_ =	sdelay $0x1  }
0x138: {  	[sflag:s24] =	ssyncset.done $0x0  }
0x139: {  	[sflag:s24] =	ssyncadd.s32 $0xFFFFFFB0  }
0x13a: {  	_ =	sfence.sel $0x180000  }
0x13b: {  	[bflag:$0x0] =	sbarrier.arrive $0xFFFF  }
0x13c: {  	_ =	strace $0x9000004A  }
0x13d: {  	s0 =	stileid.u32;
	[bflag:$0x2] =	sbarrier.arrive $0xFFFF  }
0x13e: {  	p0 =	sne.s32 s0, $0x0;
	s0 =	rddreg [dreg:$0x3]  }
0x13f: {  	s0 =	sadd.s32 @!p0 $0x100000, s0  }
0x140: {  	[sflag:s0] =	ssyncadd.tile.s32 @!p0 $0x1;
	_ =	shalt  }
.Lfunc_end2:
_tile_overlayer_lowered:
.L_overlay_start_2:
0x141: {  	(tag) =	ssettag $0x2  }
0x142: {  	s0 =	rddreg [dreg:$0x0];
	s2 =	stileid.u32  }
0x143: {  	s1 =	rddreg [dreg:$0x1];
	p0 =	sne.s32 s2, $0x0  }
0x144: {  	s3 =	rddreg [dreg:$0x2];
	[bflag:$0x3] =	sbarrier.arrive $0xFFFF;
	s2 =	simm.s32 @!p0 $0x1C0B  }
0x145: {  	[timem:s3], [sflag:s2] =	dma.local @!p0 [hbm:s0], s1  }
0x146: {  	s0 =	simm.s32 @!p0 $0xB  }
0x147: {  	_ =	swait.ge @!p0 [sflag:s0], s1  }
0x148: {  	s1 =	ssub.s32 @!p0 $0x0, s1;
	[sflag:s0] =	ssyncset.done @!p0 $0x0  }
0x149: {  	[sflag:s0] =	ssyncadd.s32 @!p0 s1  }
0x14a: {  	[bflag:$0x3] =	sbarrier.arrive $0xFFFF  }
0x14b: {  	_ =	shalt  }

</sc_bundles>
